<compile_context>
chip_gen: v7x
topology: tpu7x:2x2x1
jax: 0.10.2.dev20260603
libtpu: 0.0.44.dev20260713+nightly
codegen_flags: <defaults>
</compile_context>

<pallas_src>
import functools

import jax
import jax.numpy as jnp
from jax import lax
from jax.experimental import pallas as pl
from jax.experimental.pallas import tpu as pltpu
from jax.experimental.pallas import tpu_sc as plsc

BATCH = 16384
DIM = 64
NBUCKETS = 100000
LN_EPS = 1e-5

_NC, _NS = 2, 16
_NW = _NC * _NS
_PLANES_PER = DIM // _NW
_CH = 8192
_UNROLL = 4


def _sc_gather_t(indices, table_t):
    mesh = plsc.VectorSubcoreMesh(core_axis_name="c", subcore_axis_name="s")

    @functools.partial(
        pl.kernel,
        mesh=mesh,
        out_type=jax.ShapeDtypeStruct((DIM, BATCH), jnp.float32),
        scratch_types=[
            pltpu.VMEM((NBUCKETS,), jnp.float32),
            pltpu.VMEM((_CH,), jnp.int32),
            pltpu.VMEM((_CH,), jnp.float32),
        ],
        compiler_params=pltpu.CompilerParams(
            skip_device_barrier=True, needs_layout_passes=False
        ),
    )
    def gather_kernel(idx_hbm, table_hbm, out_hbm, plane_v, idx_v, orow_v):
        wid = lax.axis_index("s") * _NC + lax.axis_index("c")
        for p in range(_PLANES_PER):
            c = wid * _PLANES_PER + p
            pltpu.sync_copy(table_hbm.at[c], plane_v)
            for ch in range(BATCH // _CH):
                pltpu.sync_copy(idx_hbm.at[pl.ds(ch * _CH, _CH)], idx_v)

                def body(g, _):
                    base = g * 16 * _UNROLL
                    for u in range(_UNROLL):
                        off = base + u * 16
                        iv = idx_v[pl.ds(off, 16)]
                        orow_v[pl.ds(off, 16)] = plsc.load_gather(plane_v, [iv])
                    return 0

                lax.fori_loop(0, _CH // (16 * _UNROLL), body, 0)
                pltpu.sync_copy(orow_v, out_hbm.at[c, pl.ds(ch * _CH, _CH)])

    return gather_kernel(indices, table_t)


def _dense_body_t(e_ref, w_ref, b_ref, g_ref, beta_ref, o_ref):
    h = jnp.dot(w_ref[...], e_ref[...], preferred_element_type=jnp.float32)
    h = h + b_ref[...]
    h = 0.5 * h * (1.0 + lax.erf(h * 0.7071067811865476))
    mean = jnp.mean(h, axis=0, keepdims=True)
    c = h - mean
    var = jnp.mean(c * c, axis=0, keepdims=True)
    o_ref[...] = c * lax.rsqrt(var + LN_EPS) * g_ref[...] + beta_ref[...]


def _tc_dense_t(emb_t, W, b2, g2, be2):
    blk = 8192
    grid = (BATCH // blk,)
    return pl.pallas_call(
        _dense_body_t,
        grid=grid,
        in_specs=[
            pl.BlockSpec((DIM, blk), lambda i: (0, i)),
            pl.BlockSpec((DIM, DIM), lambda i: (0, 0)),
            pl.BlockSpec((DIM, 1), lambda i: (0, 0)),
            pl.BlockSpec((DIM, 1), lambda i: (0, 0)),
            pl.BlockSpec((DIM, 1), lambda i: (0, 0)),
        ],
        out_specs=pl.BlockSpec((DIM, blk), lambda i: (0, i)),
        out_shape=jax.ShapeDtypeStruct((DIM, BATCH), jnp.float32),
    )(emb_t, W, b2, g2, be2)


def kernel(indices, table, W, b, gamma, beta):
    emb_t = _sc_gather_t(indices.astype(jnp.int32), table.T)
    out_t = _tc_dense_t(
        emb_t,
        W,
        b.reshape(DIM, 1),
        gamma.reshape(DIM, 1),
        beta.reshape(DIM, 1),
    )
    return out_t.T

# --- scband reference (transcript-rebuilt; emitter-appended) ---
"""Pipeline reference for scband-text-encoder-38259568673234 (READ-ONLY COPY).

The authoritative reference and input builder live on the scoring server;
editing this copy changes nothing except your own understanding.
"""

import jax, jax.numpy as jnp
import numpy as np

NUM_BUCKETS = 100000
OUT_DIM = 64
BATCH = 16384
LN_EPS = 1e-5


def setup_inputs(seed: int = 0) -> dict:
    key = jax.random.key(seed)
    k_idx, k_emb, k_w, k_b = jax.random.split(key, 4)
    indices = jax.random.randint(k_idx, (BATCH,), 0, NUM_BUCKETS, dtype=jnp.int64) if jax.config.jax_enable_x64 else jax.random.randint(k_idx, (BATCH,), 0, NUM_BUCKETS, dtype=jnp.int32)
    # xavier_uniform init for embedding table [NUM_BUCKETS, OUT_DIM]
    limit_emb = float(np.sqrt(6.0 / (NUM_BUCKETS + OUT_DIM)))
    table = jax.random.uniform(k_emb, (NUM_BUCKETS, OUT_DIM), minval=-limit_emb, maxval=limit_emb, dtype=jnp.float32)
    # Linear(OUT_DIM, OUT_DIM) kaiming-uniform-ish init
    limit_w = float(np.sqrt(1.0 / OUT_DIM))
    W = jax.random.uniform(k_w, (OUT_DIM, OUT_DIM), minval=-limit_w, maxval=limit_w, dtype=jnp.float32)
    b = jax.random.uniform(k_b, (OUT_DIM,), minval=-limit_w, maxval=limit_w, dtype=jnp.float32)
    gamma = jnp.ones((OUT_DIM,), dtype=jnp.float32)
    beta = jnp.zeros((OUT_DIM,), dtype=jnp.float32)
    return {"indices": indices, "table": table, "W": W, "b": b, "gamma": gamma, "beta": beta}


def reference(indices, table, W, b, gamma, beta):
    # embedding lookup (SparseCore-friendly gather)
    emb = jnp.take(table, indices, axis=0)  # [B, OUT_DIM]
    # projection: Linear -> GELU (exact, erf-based as in torch default) -> LayerNorm
    h = emb @ W.T + b
    h = jax.nn.gelu(h, approximate=False)
    mean = jnp.mean(h, axis=-1, keepdims=True)
    var = jnp.mean((h - mean) ** 2, axis=-1, keepdims=True)
    out = (h - mean) / jnp.sqrt(var + LN_EPS) * gamma + beta
    return out

if __name__ == "__main__":
    import jax
    _d = setup_inputs()
    print(jax.jit(kernel)(*tuple(_d.values())))

</pallas_src>

<mosaic_0001>
#map = affine_map<(d0, d1) -> (0)>
#map1 = affine_map<(d0, d1) -> (0, 0)>
module attributes {stable_mosaic.version = 14 : i64} {
  func.func @gather_kernel(%arg0: i32, %arg1: i32, %arg2: memref<16384xi32, #tpu.memory_space<hbm>>, %arg3: memref<64x100000xf32, #tpu.memory_space<hbm>>, %arg4: memref<64x16384xf32, #tpu.memory_space<hbm>>, %arg5: memref<100000xf32, #tpu.memory_space<vmem>>, %arg6: memref<8192xi32, #tpu.memory_space<vmem>>, %arg7: memref<8192xf32, #tpu.memory_space<vmem>>) attributes {dimension_semantics = [#tpu.dimension_semantics<core_parallel>, #tpu.dimension_semantics<subcore_parallel>], iteration_bounds = array<i64: 2, 16>, scalar_prefetch = 0 : i64, scratch_operands = 3 : i64, tpu.core_type = #tpu.core_type<sc_vector_subcore>, window_params = [{transform_indices = #map}, {transform_indices = #map1}, {transform_indices = #map1}]} {
    %mul3A = arith.constant 2 : i32
    %mul3A_0 = arith.muli %arg1, %mul3A : i32
    %add3A = arith.addi %mul3A_0, %arg0 : i32
    %mul3A_1 = arith.constant 2 : i32
    %mul3A_2 = arith.muli %add3A, %mul3A_1 : i32
    %add3A_3 = arith.constant 0 : i32
    %add3A_4 = arith.addi %mul3A_2, %add3A_3 : i32
    "tpu.region"() ({
      %run_scoped3A = tpu.sem_alloc : memref<!tpu.dma_semaphore, #tpu.memory_space<semaphore_mem>>
      %dma_start3A = arith.constant 0 : i32
      %dma_start3A_36 = tpu.memref_slice %arg3[%add3A_4, %dma_start3A] : memref<64x100000xf32, #tpu.memory_space<hbm>> -> memref<1x100000xf32, #tpu.memory_space<hbm>>
      %dma_start3A_37 = tpu.memref_squeeze %dma_start3A_36 : memref<1x100000xf32, #tpu.memory_space<hbm>> -> memref<100000xf32, #tpu.memory_space<hbm>>
      %dma_start3A_38 = arith.constant 0 : i32
      %dma_start3A_39 = tpu.memref_slice %arg3[%add3A_4, %dma_start3A_38] : memref<64x100000xf32, #tpu.memory_space<hbm>> -> memref<1x100000xf32, #tpu.memory_space<hbm>>
      %dma_start3A_40 = tpu.memref_squeeze %dma_start3A_39 : memref<1x100000xf32, #tpu.memory_space<hbm>> -> memref<100000xf32, #tpu.memory_space<hbm>>
      tpu.enqueue_dma source(%dma_start3A_40 : memref<100000xf32, #tpu.memory_space<hbm>>) target(%arg5 : memref<100000xf32, #tpu.memory_space<vmem>>) target_semaphore(%run_scoped3A : memref<!tpu.dma_semaphore, #tpu.memory_space<semaphore_mem>>)
      %dma_wait3A = arith.constant 0 : i32
      %dma_wait3A_41 = tpu.memref_slice %arg3[%add3A_4, %dma_wait3A] : memref<64x100000xf32, #tpu.memory_space<hbm>> -> memref<1x100000xf32, #tpu.memory_space<hbm>>
      %dma_wait3A_42 = tpu.memref_squeeze %dma_wait3A_41 : memref<1x100000xf32, #tpu.memory_space<hbm>> -> memref<100000xf32, #tpu.memory_space<hbm>>
      %dma_wait3A_43 = arith.constant 0 : i32
      %dma_wait3A_44 = tpu.memref_slice %arg3[%add3A_4, %dma_wait3A_43] : memref<64x100000xf32, #tpu.memory_space<hbm>> -> memref<1x100000xf32, #tpu.memory_space<hbm>>
      %dma_wait3A_45 = tpu.memref_squeeze %dma_wait3A_44 : memref<1x100000xf32, #tpu.memory_space<hbm>> -> memref<100000xf32, #tpu.memory_space<hbm>>
      tpu.wait_dma2 semaphore(%run_scoped3A : memref<!tpu.dma_semaphore, #tpu.memory_space<semaphore_mem>>) src(%dma_wait3A_45 : memref<100000xf32, #tpu.memory_space<hbm>>) dst(%arg5 : memref<100000xf32, #tpu.memory_space<vmem>>)
      tpu.yield
    }) : () -> ()
    "tpu.region"() ({
      %run_scoped3A = tpu.sem_alloc : memref<!tpu.dma_semaphore, #tpu.memory_space<semaphore_mem>>
      %dma_start3A = arith.constant 0 : i32
      %dma_start3A_36 = tpu.memref_slice %arg2[%dma_start3A] : memref<16384xi32, #tpu.memory_space<hbm>> -> memref<8192xi32, #tpu.memory_space<hbm>>
      %dma_start3A_37 = arith.constant 0 : i32
      %dma_start3A_38 = tpu.memref_slice %arg2[%dma_start3A_37] : memref<16384xi32, #tpu.memory_space<hbm>> -> memref<8192xi32, #tpu.memory_space<hbm>>
      tpu.enqueue_dma source(%dma_start3A_38 : memref<8192xi32, #tpu.memory_space<hbm>>) target(%arg6 : memref<8192xi32, #tpu.memory_space<vmem>>) target_semaphore(%run_scoped3A : memref<!tpu.dma_semaphore, #tpu.memory_space<semaphore_mem>>)
      %dma_wait3A = arith.constant 0 : i32
      %dma_wait3A_39 = tpu.memref_slice %arg2[%dma_wait3A] : memref<16384xi32, #tpu.memory_space<hbm>> -> memref<8192xi32, #tpu.memory_space<hbm>>
      %dma_wait3A_40 = arith.constant 0 : i32
      %dma_wait3A_41 = tpu.memref_slice %arg2[%dma_wait3A_40] : memref<16384xi32, #tpu.memory_space<hbm>> -> memref<8192xi32, #tpu.memory_space<hbm>>
      tpu.wait_dma2 semaphore(%run_scoped3A : memref<!tpu.dma_semaphore, #tpu.memory_space<semaphore_mem>>) src(%dma_wait3A_41 : memref<8192xi32, #tpu.memory_space<hbm>>) dst(%arg6 : memref<8192xi32, #tpu.memory_space<vmem>>)
      tpu.yield
    }) : () -> ()
    %scan3A = arith.constant 0 : i32
    %scan3A_5 = arith.constant 0 : i32
    %scan3A_6 = arith.constant 128 : i32
    %scan3A_7 = arith.addi %scan3A_5, %scan3A_6 : i32
    %scan3A_8 = arith.constant 1 : i32
    %scan3A_9 = scf.for %scan3A_36 = %scan3A_5 to %scan3A_7 step %scan3A_8 iter_args(%scan3A_37 = %scan3A) -> (i32)  : i32 {
      %mul3A_38 = arith.constant 16 : i32
      %mul3A_39 = arith.muli %scan3A_36, %mul3A_38 : i32
      %mul3A_40 = arith.constant 4 : i32
      %mul3A_41 = arith.muli %mul3A_39, %mul3A_40 : i32
      %add3A_42 = arith.constant 0 : i32
      %add3A_43 = arith.addi %mul3A_41, %add3A_42 : i32
      %get3A = arith.index_cast %add3A_43 : i32 to index
      %get3A_44 = tpu.vector_load %arg6[%get3A] {strides = array<i32>} : memref<8192xi32, #tpu.memory_space<vmem>>, vector<16xi32>,
      %gather3A = tpu.vector_load_idx %arg5[%get3A_44] : memref<100000xf32, #tpu.memory_space<vmem>>[vector<16xi32>], vector<16xf32>,
      %swap3A = arith.index_cast %add3A_43 : i32 to index
      %swap3A_45 = tpu.vector_load %arg7[%swap3A] {strides = array<i32>} : memref<8192xf32, #tpu.memory_space<vmem>>, vector<16xf32>,
      tpu.vector_store %arg7[%swap3A], %gather3A {strides = array<i32>} : memref<8192xf32, #tpu.memory_space<vmem>>, vector<16xf32>,
      %add3A_46 = arith.constant 16 : i32
      %add3A_47 = arith.addi %mul3A_41, %add3A_46 : i32
      %get3A_48 = arith.index_cast %add3A_47 : i32 to index
      %get3A_49 = tpu.vector_load %arg6[%get3A_48] {strides = array<i32>} : memref<8192xi32, #tpu.memory_space<vmem>>, vector<16xi32>,
      %gather3A_50 = tpu.vector_load_idx %arg5[%get3A_49] : memref<100000xf32, #tpu.memory_space<vmem>>[vector<16xi32>], vector<16xf32>,
      %swap3A_51 = arith.index_cast %add3A_47 : i32 to index
      %swap3A_52 = tpu.vector_load %arg7[%swap3A_51] {strides = array<i32>} : memref<8192xf32, #tpu.memory_space<vmem>>, vector<16xf32>,
      tpu.vector_store %arg7[%swap3A_51], %gather3A_50 {strides = array<i32>} : memref<8192xf32, #tpu.memory_space<vmem>>, vector<16xf32>,
      %add3A_53 = arith.constant 32 : i32
      %add3A_54 = arith.addi %mul3A_41, %add3A_53 : i32
      %get3A_55 = arith.index_cast %add3A_54 : i32 to index
      %get3A_56 = tpu.vector_load %arg6[%get3A_55] {strides = array<i32>} : memref<8192xi32, #tpu.memory_space<vmem>>, vector<16xi32>,
      %gather3A_57 = tpu.vector_load_idx %arg5[%get3A_56] : memref<100000xf32, #tpu.memory_space<vmem>>[vector<16xi32>], vector<16xf32>,
      %swap3A_58 = arith.index_cast %add3A_54 : i32 to index
      %swap3A_59 = tpu.vector_load %arg7[%swap3A_58] {strides = array<i32>} : memref<8192xf32, #tpu.memory_space<vmem>>, vector<16xf32>,
      tpu.vector_store %arg7[%swap3A_58], %gather3A_57 {strides = array<i32>} : memref<8192xf32, #tpu.memory_space<vmem>>, vector<16xf32>,
      %add3A_60 = arith.constant 48 : i32
      %add3A_61 = arith.addi %mul3A_41, %add3A_60 : i32
      %get3A_62 = arith.index_cast %add3A_61 : i32 to index
      %get3A_63 = tpu.vector_load %arg6[%get3A_62] {strides = array<i32>} : memref<8192xi32, #tpu.memory_space<vmem>>, vector<16xi32>,
      %gather3A_64 = tpu.vector_load_idx %arg5[%get3A_63] : memref<100000xf32, #tpu.memory_space<vmem>>[vector<16xi32>], vector<16xf32>,
      %swap3A_65 = arith.index_cast %add3A_61 : i32 to index
      %swap3A_66 = tpu.vector_load %arg7[%swap3A_65] {strides = array<i32>} : memref<8192xf32, #tpu.memory_space<vmem>>, vector<16xf32>,
      tpu.vector_store %arg7[%swap3A_65], %gather3A_64 {strides = array<i32>} : memref<8192xf32, #tpu.memory_space<vmem>>, vector<16xf32>,
      %scan3A_67 = arith.constant 0 : i32
      scf.yield %scan3A_67 : i32
    }
    %scan3A_10 = arith.constant 128 : i32
    "tpu.region"() ({
      %run_scoped3A = tpu.sem_alloc : memref<!tpu.dma_semaphore, #tpu.memory_space<semaphore_mem>>
      %dma_start3A = arith.constant 0 : i32
      %dma_start3A_36 = tpu.memref_slice %arg4[%add3A_4, %dma_start3A] : memref<64x16384xf32, #tpu.memory_space<hbm>> -> memref<1x8192xf32, #tpu.memory_space<hbm>>
      %dma_start3A_37 = tpu.memref_squeeze %dma_start3A_36 : memref<1x8192xf32, #tpu.memory_space<hbm>> -> memref<8192xf32, #tpu.memory_space<hbm>>
      %dma_start3A_38 = arith.constant 0 : i32
      %dma_start3A_39 = tpu.memref_slice %arg4[%add3A_4, %dma_start3A_38] : memref<64x16384xf32, #tpu.memory_space<hbm>> -> memref<1x8192xf32, #tpu.memory_space<hbm>>
      %dma_start3A_40 = tpu.memref_squeeze %dma_start3A_39 : memref<1x8192xf32, #tpu.memory_space<hbm>> -> memref<8192xf32, #tpu.memory_space<hbm>>
      tpu.enqueue_dma source(%arg7 : memref<8192xf32, #tpu.memory_space<vmem>>) target(%dma_start3A_40 : memref<8192xf32, #tpu.memory_space<hbm>>) target_semaphore(%run_scoped3A : memref<!tpu.dma_semaphore, #tpu.memory_space<semaphore_mem>>)
      %dma_wait3A = arith.constant 0 : i32
      %dma_wait3A_41 = tpu.memref_slice %arg4[%add3A_4, %dma_wait3A] : memref<64x16384xf32, #tpu.memory_space<hbm>> -> memref<1x8192xf32, #tpu.memory_space<hbm>>
      %dma_wait3A_42 = tpu.memref_squeeze %dma_wait3A_41 : memref<1x8192xf32, #tpu.memory_space<hbm>> -> memref<8192xf32, #tpu.memory_space<hbm>>
      %dma_wait3A_43 = arith.constant 0 : i32
      %dma_wait3A_44 = tpu.memref_slice %arg4[%add3A_4, %dma_wait3A_43] : memref<64x16384xf32, #tpu.memory_space<hbm>> -> memref<1x8192xf32, #tpu.memory_space<hbm>>
      %dma_wait3A_45 = tpu.memref_squeeze %dma_wait3A_44 : memref<1x8192xf32, #tpu.memory_space<hbm>> -> memref<8192xf32, #tpu.memory_space<hbm>>
      tpu.wait_dma2 semaphore(%run_scoped3A : memref<!tpu.dma_semaphore, #tpu.memory_space<semaphore_mem>>) src(%arg7 : memref<8192xf32, #tpu.memory_space<vmem>>) dst(%dma_wait3A_45 : memref<8192xf32, #tpu.memory_space<hbm>>)
      tpu.yield
    }) : () -> ()
    "tpu.region"() ({
      %run_scoped3A = tpu.sem_alloc : memref<!tpu.dma_semaphore, #tpu.memory_space<semaphore_mem>>
      %dma_start3A = arith.constant 8192 : i32
      %dma_start3A_36 = tpu.memref_slice %arg2[%dma_start3A] : memref<16384xi32, #tpu.memory_space<hbm>> -> memref<8192xi32, #tpu.memory_space<hbm>>
      %dma_start3A_37 = arith.constant 8192 : i32
      %dma_start3A_38 = tpu.memref_slice %arg2[%dma_start3A_37] : memref<16384xi32, #tpu.memory_space<hbm>> -> memref<8192xi32, #tpu.memory_space<hbm>>
      tpu.enqueue_dma source(%dma_start3A_38 : memref<8192xi32, #tpu.memory_space<hbm>>) target(%arg6 : memref<8192xi32, #tpu.memory_space<vmem>>) target_semaphore(%run_scoped3A : memref<!tpu.dma_semaphore, #tpu.memory_space<semaphore_mem>>)
      %dma_wait3A = arith.constant 8192 : i32
      %dma_wait3A_39 = tpu.memref_slice %arg2[%dma_wait3A] : memref<16384xi32, #tpu.memory_space<hbm>> -> memref<8192xi32, #tpu.memory_space<hbm>>
      %dma_wait3A_40 = arith.constant 8192 : i32
      %dma_wait3A_41 = tpu.memref_slice %arg2[%dma_wait3A_40] : memref<16384xi32, #tpu.memory_space<hbm>> -> memref<8192xi32, #tpu.memory_space<hbm>>
      tpu.wait_dma2 semaphore(%run_scoped3A : memref<!tpu.dma_semaphore, #tpu.memory_space<semaphore_mem>>) src(%dma_wait3A_41 : memref<8192xi32, #tpu.memory_space<hbm>>) dst(%arg6 : memref<8192xi32, #tpu.memory_space<vmem>>)
      tpu.yield
    }) : () -> ()
    %scan3A_11 = arith.constant 0 : i32
    %scan3A_12 = arith.constant 0 : i32
    %scan3A_13 = arith.constant 128 : i32
    %scan3A_14 = arith.addi %scan3A_12, %scan3A_13 : i32
    %scan3A_15 = arith.constant 1 : i32
    %scan3A_16 = scf.for %scan3A_36 = %scan3A_12 to %scan3A_14 step %scan3A_15 iter_args(%scan3A_37 = %scan3A_11) -> (i32)  : i32 {
      %mul3A_38 = arith.constant 16 : i32
      %mul3A_39 = arith.muli %scan3A_36, %mul3A_38 : i32
      %mul3A_40 = arith.constant 4 : i32
      %mul3A_41 = arith.muli %mul3A_39, %mul3A_40 : i32
      %add3A_42 = arith.constant 0 : i32
      %add3A_43 = arith.addi %mul3A_41, %add3A_42 : i32
      %get3A = arith.index_cast %add3A_43 : i32 to index
      %get3A_44 = tpu.vector_load %arg6[%get3A] {strides = array<i32>} : memref<8192xi32, #tpu.memory_space<vmem>>, vector<16xi32>,
      %gather3A = tpu.vector_load_idx %arg5[%get3A_44] : memref<100000xf32, #tpu.memory_space<vmem>>[vector<16xi32>], vector<16xf32>,
      %swap3A = arith.index_cast %add3A_43 : i32 to index
      %swap3A_45 = tpu.vector_load %arg7[%swap3A] {strides = array<i32>} : memref<8192xf32, #tpu.memory_space<vmem>>, vector<16xf32>,
      tpu.vector_store %arg7[%swap3A], %gather3A {strides = array<i32>} : memref<8192xf32, #tpu.memory_space<vmem>>, vector<16xf32>,
      %add3A_46 = arith.constant 16 : i32
      %add3A_47 = arith.addi %mul3A_41, %add3A_46 : i32
      %get3A_48 = arith.index_cast %add3A_47 : i32 to index
      %get3A_49 = tpu.vector_load %arg6[%get3A_48] {strides = array<i32>} : memref<8192xi32, #tpu.memory_space<vmem>>, vector<16xi32>,
      %gather3A_50 = tpu.vector_load_idx %arg5[%get3A_49] : memref<100000xf32, #tpu.memory_space<vmem>>[vector<16xi32>], vector<16xf32>,
      %swap3A_51 = arith.index_cast %add3A_47 : i32 to index
      %swap3A_52 = tpu.vector_load %arg7[%swap3A_51] {strides = array<i32>} : memref<8192xf32, #tpu.memory_space<vmem>>, vector<16xf32>,
      tpu.vector_store %arg7[%swap3A_51], %gather3A_50 {strides = array<i32>} : memref<8192xf32, #tpu.memory_space<vmem>>, vector<16xf32>,
      %add3A_53 = arith.constant 32 : i32
      %add3A_54 = arith.addi %mul3A_41, %add3A_53 : i32
      %get3A_55 = arith.index_cast %add3A_54 : i32 to index
      %get3A_56 = tpu.vector_load %arg6[%get3A_55] {strides = array<i32>} : memref<8192xi32, #tpu.memory_space<vmem>>, vector<16xi32>,
      %gather3A_57 = tpu.vector_load_idx %arg5[%get3A_56] : memref<100000xf32, #tpu.memory_space<vmem>>[vector<16xi32>], vector<16xf32>,
      %swap3A_58 = arith.index_cast %add3A_54 : i32 to index
      %swap3A_59 = tpu.vector_load %arg7[%swap3A_58] {strides = array<i32>} : memref<8192xf32, #tpu.memory_space<vmem>>, vector<16xf32>,
      tpu.vector_store %arg7[%swap3A_58], %gather3A_57 {strides = array<i32>} : memref<8192xf32, #tpu.memory_space<vmem>>, vector<16xf32>,
      %add3A_60 = arith.constant 48 : i32
      %add3A_61 = arith.addi %mul3A_41, %add3A_60 : i32
      %get3A_62 = arith.index_cast %add3A_61 : i32 to index
      %get3A_63 = tpu.vector_load %arg6[%get3A_62] {strides = array<i32>} : memref<8192xi32, #tpu.memory_space<vmem>>, vector<16xi32>,
      %gather3A_64 = tpu.vector_load_idx %arg5[%get3A_63] : memref<100000xf32, #tpu.memory_space<vmem>>[vector<16xi32>], vector<16xf32>,
      %swap3A_65 = arith.index_cast %add3A_61 : i32 to index
      %swap3A_66 = tpu.vector_load %arg7[%swap3A_65] {strides = array<i32>} : memref<8192xf32, #tpu.memory_space<vmem>>, vector<16xf32>,
      tpu.vector_store %arg7[%swap3A_65], %gather3A_64 {strides = array<i32>} : memref<8192xf32, #tpu.memory_space<vmem>>, vector<16xf32>,
      %scan3A_67 = arith.constant 0 : i32
      scf.yield %scan3A_67 : i32
    }
    %scan3A_17 = arith.constant 128 : i32
    "tpu.region"() ({
      %run_scoped3A = tpu.sem_alloc : memref<!tpu.dma_semaphore, #tpu.memory_space<semaphore_mem>>
      %dma_start3A = arith.constant 8192 : i32
      %dma_start3A_36 = tpu.memref_slice %arg4[%add3A_4, %dma_start3A] : memref<64x16384xf32, #tpu.memory_space<hbm>> -> memref<1x8192xf32, #tpu.memory_space<hbm>>
      %dma_start3A_37 = tpu.memref_squeeze %dma_start3A_36 : memref<1x8192xf32, #tpu.memory_space<hbm>> -> memref<8192xf32, #tpu.memory_space<hbm>>
      %dma_start3A_38 = arith.constant 8192 : i32
      %dma_start3A_39 = tpu.memref_slice %arg4[%add3A_4, %dma_start3A_38] : memref<64x16384xf32, #tpu.memory_space<hbm>> -> memref<1x8192xf32, #tpu.memory_space<hbm>>
      %dma_start3A_40 = tpu.memref_squeeze %dma_start3A_39 : memref<1x8192xf32, #tpu.memory_space<hbm>> -> memref<8192xf32, #tpu.memory_space<hbm>>
      tpu.enqueue_dma source(%arg7 : memref<8192xf32, #tpu.memory_space<vmem>>) target(%dma_start3A_40 : memref<8192xf32, #tpu.memory_space<hbm>>) target_semaphore(%run_scoped3A : memref<!tpu.dma_semaphore, #tpu.memory_space<semaphore_mem>>)
      %dma_wait3A = arith.constant 8192 : i32
      %dma_wait3A_41 = tpu.memref_slice %arg4[%add3A_4, %dma_wait3A] : memref<64x16384xf32, #tpu.memory_space<hbm>> -> memref<1x8192xf32, #tpu.memory_space<hbm>>
      %dma_wait3A_42 = tpu.memref_squeeze %dma_wait3A_41 : memref<1x8192xf32, #tpu.memory_space<hbm>> -> memref<8192xf32, #tpu.memory_space<hbm>>
      %dma_wait3A_43 = arith.constant 8192 : i32
      %dma_wait3A_44 = tpu.memref_slice %arg4[%add3A_4, %dma_wait3A_43] : memref<64x16384xf32, #tpu.memory_space<hbm>> -> memref<1x8192xf32, #tpu.memory_space<hbm>>
      %dma_wait3A_45 = tpu.memref_squeeze %dma_wait3A_44 : memref<1x8192xf32, #tpu.memory_space<hbm>> -> memref<8192xf32, #tpu.memory_space<hbm>>
      tpu.wait_dma2 semaphore(%run_scoped3A : memref<!tpu.dma_semaphore, #tpu.memory_space<semaphore_mem>>) src(%arg7 : memref<8192xf32, #tpu.memory_space<vmem>>) dst(%dma_wait3A_45 : memref<8192xf32, #tpu.memory_space<hbm>>)
      tpu.yield
    }) : () -> ()
    %mul3A_18 = arith.constant 2 : i32
    %mul3A_19 = arith.muli %add3A, %mul3A_18 : i32
    %add3A_20 = arith.constant 1 : i32
    %add3A_21 = arith.addi %mul3A_19, %add3A_20 : i32
    "tpu.region"() ({
      %run_scoped3A = tpu.sem_alloc : memref<!tpu.dma_semaphore, #tpu.memory_space<semaphore_mem>>
      %dma_start3A = arith.constant 0 : i32
      %dma_start3A_36 = tpu.memref_slice %arg3[%add3A_21, %dma_start3A] : memref<64x100000xf32, #tpu.memory_space<hbm>> -> memref<1x100000xf32, #tpu.memory_space<hbm>>
      %dma_start3A_37 = tpu.memref_squeeze %dma_start3A_36 : memref<1x100000xf32, #tpu.memory_space<hbm>> -> memref<100000xf32, #tpu.memory_space<hbm>>
      %dma_start3A_38 = arith.constant 0 : i32
      %dma_start3A_39 = tpu.memref_slice %arg3[%add3A_21, %dma_start3A_38] : memref<64x100000xf32, #tpu.memory_space<hbm>> -> memref<1x100000xf32, #tpu.memory_space<hbm>>
      %dma_start3A_40 = tpu.memref_squeeze %dma_start3A_39 : memref<1x100000xf32, #tpu.memory_space<hbm>> -> memref<100000xf32, #tpu.memory_space<hbm>>
      tpu.enqueue_dma source(%dma_start3A_40 : memref<100000xf32, #tpu.memory_space<hbm>>) target(%arg5 : memref<100000xf32, #tpu.memory_space<vmem>>) target_semaphore(%run_scoped3A : memref<!tpu.dma_semaphore, #tpu.memory_space<semaphore_mem>>)
      %dma_wait3A = arith.constant 0 : i32
      %dma_wait3A_41 = tpu.memref_slice %arg3[%add3A_21, %dma_wait3A] : memref<64x100000xf32, #tpu.memory_space<hbm>> -> memref<1x100000xf32, #tpu.memory_space<hbm>>
      %dma_wait3A_42 = tpu.memref_squeeze %dma_wait3A_41 : memref<1x100000xf32, #tpu.memory_space<hbm>> -> memref<100000xf32, #tpu.memory_space<hbm>>
      %dma_wait3A_43 = arith.constant 0 : i32
      %dma_wait3A_44 = tpu.memref_slice %arg3[%add3A_21, %dma_wait3A_43] : memref<64x100000xf32, #tpu.memory_space<hbm>> -> memref<1x100000xf32, #tpu.memory_space<hbm>>
      %dma_wait3A_45 = tpu.memref_squeeze %dma_wait3A_44 : memref<1x100000xf32, #tpu.memory_space<hbm>> -> memref<100000xf32, #tpu.memory_space<hbm>>
      tpu.wait_dma2 semaphore(%run_scoped3A : memref<!tpu.dma_semaphore, #tpu.memory_space<semaphore_mem>>) src(%dma_wait3A_45 : memref<100000xf32, #tpu.memory_space<hbm>>) dst(%arg5 : memref<100000xf32, #tpu.memory_space<vmem>>)
      tpu.yield
    }) : () -> ()
    "tpu.region"() ({
      %run_scoped3A = tpu.sem_alloc : memref<!tpu.dma_semaphore, #tpu.memory_space<semaphore_mem>>
      %dma_start3A = arith.constant 0 : i32
      %dma_start3A_36 = tpu.memref_slice %arg2[%dma_start3A] : memref<16384xi32, #tpu.memory_space<hbm>> -> memref<8192xi32, #tpu.memory_space<hbm>>
      %dma_start3A_37 = arith.constant 0 : i32
      %dma_start3A_38 = tpu.memref_slice %arg2[%dma_start3A_37] : memref<16384xi32, #tpu.memory_space<hbm>> -> memref<8192xi32, #tpu.memory_space<hbm>>
      tpu.enqueue_dma source(%dma_start3A_38 : memref<8192xi32, #tpu.memory_space<hbm>>) target(%arg6 : memref<8192xi32, #tpu.memory_space<vmem>>) target_semaphore(%run_scoped3A : memref<!tpu.dma_semaphore, #tpu.memory_space<semaphore_mem>>)
      %dma_wait3A = arith.constant 0 : i32
      %dma_wait3A_39 = tpu.memref_slice %arg2[%dma_wait3A] : memref<16384xi32, #tpu.memory_space<hbm>> -> memref<8192xi32, #tpu.memory_space<hbm>>
      %dma_wait3A_40 = arith.constant 0 : i32
      %dma_wait3A_41 = tpu.memref_slice %arg2[%dma_wait3A_40] : memref<16384xi32, #tpu.memory_space<hbm>> -> memref<8192xi32, #tpu.memory_space<hbm>>
      tpu.wait_dma2 semaphore(%run_scoped3A : memref<!tpu.dma_semaphore, #tpu.memory_space<semaphore_mem>>) src(%dma_wait3A_41 : memref<8192xi32, #tpu.memory_space<hbm>>) dst(%arg6 : memref<8192xi32, #tpu.memory_space<vmem>>)
      tpu.yield
    }) : () -> ()
    %scan3A_22 = arith.constant 0 : i32
    %scan3A_23 = arith.constant 0 : i32
    %scan3A_24 = arith.constant 128 : i32
    %scan3A_25 = arith.addi %scan3A_23, %scan3A_24 : i32
    %scan3A_26 = arith.constant 1 : i32
    %scan3A_27 = scf.for %scan3A_36 = %scan3A_23 to %scan3A_25 step %scan3A_26 iter_args(%scan3A_37 = %scan3A_22) -> (i32)  : i32 {
      %mul3A_38 = arith.constant 16 : i32
      %mul3A_39 = arith.muli %scan3A_36, %mul3A_38 : i32
      %mul3A_40 = arith.constant 4 : i32
      %mul3A_41 = arith.muli %mul3A_39, %mul3A_40 : i32
      %add3A_42 = arith.constant 0 : i32
      %add3A_43 = arith.addi %mul3A_41, %add3A_42 : i32
      %get3A = arith.index_cast %add3A_43 : i32 to index
      %get3A_44 = tpu.vector_load %arg6[%get3A] {strides = array<i32>} : memref<8192xi32, #tpu.memory_space<vmem>>, vector<16xi32>,
      %gather3A = tpu.vector_load_idx %arg5[%get3A_44] : memref<100000xf32, #tpu.memory_space<vmem>>[vector<16xi32>], vector<16xf32>,
      %swap3A = arith.index_cast %add3A_43 : i32 to index
      %swap3A_45 = tpu.vector_load %arg7[%swap3A] {strides = array<i32>} : memref<8192xf32, #tpu.memory_space<vmem>>, vector<16xf32>,
      tpu.vector_store %arg7[%swap3A], %gather3A {strides = array<i32>} : memref<8192xf32, #tpu.memory_space<vmem>>, vector<16xf32>,
      %add3A_46 = arith.constant 16 : i32
      %add3A_47 = arith.addi %mul3A_41, %add3A_46 : i32
      %get3A_48 = arith.index_cast %add3A_47 : i32 to index
      %get3A_49 = tpu.vector_load %arg6[%get3A_48] {strides = array<i32>} : memref<8192xi32, #tpu.memory_space<vmem>>, vector<16xi32>,
      %gather3A_50 = tpu.vector_load_idx %arg5[%get3A_49] : memref<100000xf32, #tpu.memory_space<vmem>>[vector<16xi32>], vector<16xf32>,
      %swap3A_51 = arith.index_cast %add3A_47 : i32 to index
      %swap3A_52 = tpu.vector_load %arg7[%swap3A_51] {strides = array<i32>} : memref<8192xf32, #tpu.memory_space<vmem>>, vector<16xf32>,
      tpu.vector_store %arg7[%swap3A_51], %gather3A_50 {strides = array<i32>} : memref<8192xf32, #tpu.memory_space<vmem>>, vector<16xf32>,
      %add3A_53 = arith.constant 32 : i32
      %add3A_54 = arith.addi %mul3A_41, %add3A_53 : i32
      %get3A_55 = arith.index_cast %add3A_54 : i32 to index
      %get3A_56 = tpu.vector_load %arg6[%get3A_55] {strides = array<i32>} : memref<8192xi32, #tpu.memory_space<vmem>>, vector<16xi32>,
      %gather3A_57 = tpu.vector_load_idx %arg5[%get3A_56] : memref<100000xf32, #tpu.memory_space<vmem>>[vector<16xi32>], vector<16xf32>,
      %swap3A_58 = arith.index_cast %add3A_54 : i32 to index
      %swap3A_59 = tpu.vector_load %arg7[%swap3A_58] {strides = array<i32>} : memref<8192xf32, #tpu.memory_space<vmem>>, vector<16xf32>,
      tpu.vector_store %arg7[%swap3A_58], %gather3A_57 {strides = array<i32>} : memref<8192xf32, #tpu.memory_space<vmem>>, vector<16xf32>,
      %add3A_60 = arith.constant 48 : i32
      %add3A_61 = arith.addi %mul3A_41, %add3A_60 : i32
      %get3A_62 = arith.index_cast %add3A_61 : i32 to index
      %get3A_63 = tpu.vector_load %arg6[%get3A_62] {strides = array<i32>} : memref<8192xi32, #tpu.memory_space<vmem>>, vector<16xi32>,
      %gather3A_64 = tpu.vector_load_idx %arg5[%get3A_63] : memref<100000xf32, #tpu.memory_space<vmem>>[vector<16xi32>], vector<16xf32>,
      %swap3A_65 = arith.index_cast %add3A_61 : i32 to index
      %swap3A_66 = tpu.vector_load %arg7[%swap3A_65] {strides = array<i32>} : memref<8192xf32, #tpu.memory_space<vmem>>, vector<16xf32>,
      tpu.vector_store %arg7[%swap3A_65], %gather3A_64 {strides = array<i32>} : memref<8192xf32, #tpu.memory_space<vmem>>, vector<16xf32>,
      %scan3A_67 = arith.constant 0 : i32
      scf.yield %scan3A_67 : i32
    }
    %scan3A_28 = arith.constant 128 : i32
    "tpu.region"() ({
      %run_scoped3A = tpu.sem_alloc : memref<!tpu.dma_semaphore, #tpu.memory_space<semaphore_mem>>
      %dma_start3A = arith.constant 0 : i32
      %dma_start3A_36 = tpu.memref_slice %arg4[%add3A_21, %dma_start3A] : memref<64x16384xf32, #tpu.memory_space<hbm>> -> memref<1x8192xf32, #tpu.memory_space<hbm>>
      %dma_start3A_37 = tpu.memref_squeeze %dma_start3A_36 : memref<1x8192xf32, #tpu.memory_space<hbm>> -> memref<8192xf32, #tpu.memory_space<hbm>>
      %dma_start3A_38 = arith.constant 0 : i32
      %dma_start3A_39 = tpu.memref_slice %arg4[%add3A_21, %dma_start3A_38] : memref<64x16384xf32, #tpu.memory_space<hbm>> -> memref<1x8192xf32, #tpu.memory_space<hbm>>
      %dma_start3A_40 = tpu.memref_squeeze %dma_start3A_39 : memref<1x8192xf32, #tpu.memory_space<hbm>> -> memref<8192xf32, #tpu.memory_space<hbm>>
      tpu.enqueue_dma source(%arg7 : memref<8192xf32, #tpu.memory_space<vmem>>) target(%dma_start3A_40 : memref<8192xf32, #tpu.memory_space<hbm>>) target_semaphore(%run_scoped3A : memref<!tpu.dma_semaphore, #tpu.memory_space<semaphore_mem>>)
      %dma_wait3A = arith.constant 0 : i32
      %dma_wait3A_41 = tpu.memref_slice %arg4[%add3A_21, %dma_wait3A] : memref<64x16384xf32, #tpu.memory_space<hbm>> -> memref<1x8192xf32, #tpu.memory_space<hbm>>
      %dma_wait3A_42 = tpu.memref_squeeze %dma_wait3A_41 : memref<1x8192xf32, #tpu.memory_space<hbm>> -> memref<8192xf32, #tpu.memory_space<hbm>>
      %dma_wait3A_43 = arith.constant 0 : i32
      %dma_wait3A_44 = tpu.memref_slice %arg4[%add3A_21, %dma_wait3A_43] : memref<64x16384xf32, #tpu.memory_space<hbm>> -> memref<1x8192xf32, #tpu.memory_space<hbm>>
      %dma_wait3A_45 = tpu.memref_squeeze %dma_wait3A_44 : memref<1x8192xf32, #tpu.memory_space<hbm>> -> memref<8192xf32, #tpu.memory_space<hbm>>
      tpu.wait_dma2 semaphore(%run_scoped3A : memref<!tpu.dma_semaphore, #tpu.memory_space<semaphore_mem>>) src(%arg7 : memref<8192xf32, #tpu.memory_space<vmem>>) dst(%dma_wait3A_45 : memref<8192xf32, #tpu.memory_space<hbm>>)
      tpu.yield
    }) : () -> ()
    "tpu.region"() ({
      %run_scoped3A = tpu.sem_alloc : memref<!tpu.dma_semaphore, #tpu.memory_space<semaphore_mem>>
      %dma_start3A = arith.constant 8192 : i32
      %dma_start3A_36 = tpu.memref_slice %arg2[%dma_start3A] : memref<16384xi32, #tpu.memory_space<hbm>> -> memref<8192xi32, #tpu.memory_space<hbm>>
      %dma_start3A_37 = arith.constant 8192 : i32
      %dma_start3A_38 = tpu.memref_slice %arg2[%dma_start3A_37] : memref<16384xi32, #tpu.memory_space<hbm>> -> memref<8192xi32, #tpu.memory_space<hbm>>
      tpu.enqueue_dma source(%dma_start3A_38 : memref<8192xi32, #tpu.memory_space<hbm>>) target(%arg6 : memref<8192xi32, #tpu.memory_space<vmem>>) target_semaphore(%run_scoped3A : memref<!tpu.dma_semaphore, #tpu.memory_space<semaphore_mem>>)
      %dma_wait3A = arith.constant 8192 : i32
      %dma_wait3A_39 = tpu.memref_slice %arg2[%dma_wait3A] : memref<16384xi32, #tpu.memory_space<hbm>> -> memref<8192xi32, #tpu.memory_space<hbm>>
      %dma_wait3A_40 = arith.constant 8192 : i32
      %dma_wait3A_41 = tpu.memref_slice %arg2[%dma_wait3A_40] : memref<16384xi32, #tpu.memory_space<hbm>> -> memref<8192xi32, #tpu.memory_space<hbm>>
      tpu.wait_dma2 semaphore(%run_scoped3A : memref<!tpu.dma_semaphore, #tpu.memory_space<semaphore_mem>>) src(%dma_wait3A_41 : memref<8192xi32, #tpu.memory_space<hbm>>) dst(%arg6 : memref<8192xi32, #tpu.memory_space<vmem>>)
      tpu.yield
    }) : () -> ()
    %scan3A_29 = arith.constant 0 : i32
    %scan3A_30 = arith.constant 0 : i32
    %scan3A_31 = arith.constant 128 : i32
    %scan3A_32 = arith.addi %scan3A_30, %scan3A_31 : i32
    %scan3A_33 = arith.constant 1 : i32
    %scan3A_34 = scf.for %scan3A_36 = %scan3A_30 to %scan3A_32 step %scan3A_33 iter_args(%scan3A_37 = %scan3A_29) -> (i32)  : i32 {
      %mul3A_38 = arith.constant 16 : i32
      %mul3A_39 = arith.muli %scan3A_36, %mul3A_38 : i32
      %mul3A_40 = arith.constant 4 : i32
      %mul3A_41 = arith.muli %mul3A_39, %mul3A_40 : i32
      %add3A_42 = arith.constant 0 : i32
      %add3A_43 = arith.addi %mul3A_41, %add3A_42 : i32
      %get3A = arith.index_cast %add3A_43 : i32 to index
      %get3A_44 = tpu.vector_load %arg6[%get3A] {strides = array<i32>} : memref<8192xi32, #tpu.memory_space<vmem>>, vector<16xi32>,
      %gather3A = tpu.vector_load_idx %arg5[%get3A_44] : memref<100000xf32, #tpu.memory_space<vmem>>[vector<16xi32>], vector<16xf32>,
      %swap3A = arith.index_cast %add3A_43 : i32 to index
      %swap3A_45 = tpu.vector_load %arg7[%swap3A] {strides = array<i32>} : memref<8192xf32, #tpu.memory_space<vmem>>, vector<16xf32>,
      tpu.vector_store %arg7[%swap3A], %gather3A {strides = array<i32>} : memref<8192xf32, #tpu.memory_space<vmem>>, vector<16xf32>,
      %add3A_46 = arith.constant 16 : i32
      %add3A_47 = arith.addi %mul3A_41, %add3A_46 : i32
      %get3A_48 = arith.index_cast %add3A_47 : i32 to index
      %get3A_49 = tpu.vector_load %arg6[%get3A_48] {strides = array<i32>} : memref<8192xi32, #tpu.memory_space<vmem>>, vector<16xi32>,
      %gather3A_50 = tpu.vector_load_idx %arg5[%get3A_49] : memref<100000xf32, #tpu.memory_space<vmem>>[vector<16xi32>], vector<16xf32>,
      %swap3A_51 = arith.index_cast %add3A_47 : i32 to index
      %swap3A_52 = tpu.vector_load %arg7[%swap3A_51] {strides = array<i32>} : memref<8192xf32, #tpu.memory_space<vmem>>, vector<16xf32>,
      tpu.vector_store %arg7[%swap3A_51], %gather3A_50 {strides = array<i32>} : memref<8192xf32, #tpu.memory_space<vmem>>, vector<16xf32>,
      %add3A_53 = arith.constant 32 : i32
      %add3A_54 = arith.addi %mul3A_41, %add3A_53 : i32
      %get3A_55 = arith.index_cast %add3A_54 : i32 to index
      %get3A_56 = tpu.vector_load %arg6[%get3A_55] {strides = array<i32>} : memref<8192xi32, #tpu.memory_space<vmem>>, vector<16xi32>,
      %gather3A_57 = tpu.vector_load_idx %arg5[%get3A_56] : memref<100000xf32, #tpu.memory_space<vmem>>[vector<16xi32>], vector<16xf32>,
      %swap3A_58 = arith.index_cast %add3A_54 : i32 to index
      %swap3A_59 = tpu.vector_load %arg7[%swap3A_58] {strides = array<i32>} : memref<8192xf32, #tpu.memory_space<vmem>>, vector<16xf32>,
      tpu.vector_store %arg7[%swap3A_58], %gather3A_57 {strides = array<i32>} : memref<8192xf32, #tpu.memory_space<vmem>>, vector<16xf32>,
      %add3A_60 = arith.constant 48 : i32
      %add3A_61 = arith.addi %mul3A_41, %add3A_60 : i32
      %get3A_62 = arith.index_cast %add3A_61 : i32 to index
      %get3A_63 = tpu.vector_load %arg6[%get3A_62] {strides = array<i32>} : memref<8192xi32, #tpu.memory_space<vmem>>, vector<16xi32>,
      %gather3A_64 = tpu.vector_load_idx %arg5[%get3A_63] : memref<100000xf32, #tpu.memory_space<vmem>>[vector<16xi32>], vector<16xf32>,
      %swap3A_65 = arith.index_cast %add3A_61 : i32 to index
      %swap3A_66 = tpu.vector_load %arg7[%swap3A_65] {strides = array<i32>} : memref<8192xf32, #tpu.memory_space<vmem>>, vector<16xf32>,
      tpu.vector_store %arg7[%swap3A_65], %gather3A_64 {strides = array<i32>} : memref<8192xf32, #tpu.memory_space<vmem>>, vector<16xf32>,
      %scan3A_67 = arith.constant 0 : i32
      scf.yield %scan3A_67 : i32
    }
    %scan3A_35 = arith.constant 128 : i32
    "tpu.region"() ({
      %run_scoped3A = tpu.sem_alloc : memref<!tpu.dma_semaphore, #tpu.memory_space<semaphore_mem>>
      %dma_start3A = arith.constant 8192 : i32
      %dma_start3A_36 = tpu.memref_slice %arg4[%add3A_21, %dma_start3A] : memref<64x16384xf32, #tpu.memory_space<hbm>> -> memref<1x8192xf32, #tpu.memory_space<hbm>>
      %dma_start3A_37 = tpu.memref_squeeze %dma_start3A_36 : memref<1x8192xf32, #tpu.memory_space<hbm>> -> memref<8192xf32, #tpu.memory_space<hbm>>
      %dma_start3A_38 = arith.constant 8192 : i32
      %dma_start3A_39 = tpu.memref_slice %arg4[%add3A_21, %dma_start3A_38] : memref<64x16384xf32, #tpu.memory_space<hbm>> -> memref<1x8192xf32, #tpu.memory_space<hbm>>
      %dma_start3A_40 = tpu.memref_squeeze %dma_start3A_39 : memref<1x8192xf32, #tpu.memory_space<hbm>> -> memref<8192xf32, #tpu.memory_space<hbm>>
      tpu.enqueue_dma source(%arg7 : memref<8192xf32, #tpu.memory_space<vmem>>) target(%dma_start3A_40 : memref<8192xf32, #tpu.memory_space<hbm>>) target_semaphore(%run_scoped3A : memref<!tpu.dma_semaphore, #tpu.memory_space<semaphore_mem>>)
      %dma_wait3A = arith.constant 8192 : i32
      %dma_wait3A_41 = tpu.memref_slice %arg4[%add3A_21, %dma_wait3A] : memref<64x16384xf32, #tpu.memory_space<hbm>> -> memref<1x8192xf32, #tpu.memory_space<hbm>>
      %dma_wait3A_42 = tpu.memref_squeeze %dma_wait3A_41 : memref<1x8192xf32, #tpu.memory_space<hbm>> -> memref<8192xf32, #tpu.memory_space<hbm>>
      %dma_wait3A_43 = arith.constant 8192 : i32
      %dma_wait3A_44 = tpu.memref_slice %arg4[%add3A_21, %dma_wait3A_43] : memref<64x16384xf32, #tpu.memory_space<hbm>> -> memref<1x8192xf32, #tpu.memory_space<hbm>>
      %dma_wait3A_45 = tpu.memref_squeeze %dma_wait3A_44 : memref<1x8192xf32, #tpu.memory_space<hbm>> -> memref<8192xf32, #tpu.memory_space<hbm>>
      tpu.wait_dma2 semaphore(%run_scoped3A : memref<!tpu.dma_semaphore, #tpu.memory_space<semaphore_mem>>) src(%arg7 : memref<8192xf32, #tpu.memory_space<vmem>>) dst(%dma_wait3A_45 : memref<8192xf32, #tpu.memory_space<hbm>>)
      tpu.yield
    }) : () -> ()
    return
  }
}

module attributes {stable_mosaic.version = 14 : i64} {
  func.func @_dense_body_t(%arg0: i32, %arg1: memref<64x8192xf32, #tpu.memory_space<vmem>>, %arg2: memref<64x64xf32, #tpu.memory_space<vmem>>, %arg3: memref<64x1xf32, #tpu.memory_space<vmem>>, %arg4: memref<64x1xf32, #tpu.memory_space<vmem>>, %arg5: memref<64x1xf32, #tpu.memory_space<vmem>>, %arg6: memref<64x8192xf32, #tpu.memory_space<vmem>>) attributes {dimension_semantics = [#tpu.dimension_semantics<arbitrary>], iteration_bounds = array<i64: 2>, scalar_prefetch = 0 : i64, scratch_operands = 0 : i64, tpu.core_type = #tpu.core_type<tc>, window_params = [{transform_indices = @transform_0, window_bounds = array<i64: 64, 8192>}, {pipeline_mode = #tpu.pipeline_mode<synchronous>, transform_indices = @transform_1, window_bounds = array<i64: 64, 64>}, {pipeline_mode = #tpu.pipeline_mode<synchronous>, transform_indices = @transform_2, window_bounds = array<i64: 64, 1>}, {pipeline_mode = #tpu.pipeline_mode<synchronous>, transform_indices = @transform_3, window_bounds = array<i64: 64, 1>}, {pipeline_mode = #tpu.pipeline_mode<synchronous>, transform_indices = @transform_4, window_bounds = array<i64: 64, 1>}, {transform_indices = @transform_5, window_bounds = array<i64: 64, 8192>}]} {
    %get3A = arith.constant 0 : index
    %get3A_0 = arith.constant 0 : index
    %get3A_1 = vector.load %arg2[%get3A, %get3A_0] : memref<64x64xf32, #tpu.memory_space<vmem>>, vector<64x64xf32>
    %get3A_2 = arith.constant 0 : index
    %get3A_3 = arith.constant 0 : index
    %get3A_4 = vector.load %arg1[%get3A_2, %get3A_3] : memref<64x8192xf32, #tpu.memory_space<vmem>>, vector<64x8192xf32>
    %dot_general3A = arith.constant dense<0.000000e+00> : vector<64x8192xf32>
    %dot_general3A_5 = tpu.matmul %get3A_1, %get3A_4, %dot_general3A {dimension_numbers = #tpu.dot_dimension_numbers<[1], [0], [0], [1], [0, 0, 1, 1], [], []>, transpose_lhs_hint = false} : vector<64x64xf32>, vector<64x8192xf32>, vector<64x8192xf32> -> vector<64x8192xf32>
    %get3A_6 = arith.constant 0 : index
    %get3A_7 = arith.constant 0 : index
    %get3A_8 = vector.load %arg3[%get3A_6, %get3A_7] : memref<64x1xf32, #tpu.memory_space<vmem>>, vector<64x1xf32>
    %add3A = vector.broadcast %get3A_8 : vector<64x1xf32> to vector<64x8192xf32>
    %add3A_9 = arith.addf %dot_general3A_5, %add3A : vector<64x8192xf32>
    %mul3A = arith.constant 5.000000e-01 : f32
    %mul3A_10 = vector.broadcast %mul3A : f32 to vector<64x8192xf32>
    %mul3A_11 = arith.mulf %mul3A_10, %add3A_9 : vector<64x8192xf32>
    %mul3A_12 = arith.constant 0.707106769 : f32
    %mul3A_13 = vector.broadcast %mul3A_12 : f32 to vector<64x8192xf32>
    %mul3A_14 = arith.mulf %add3A_9, %mul3A_13 : vector<64x8192xf32>
    %erf3A = math.erf %mul3A_14 : vector<64x8192xf32>
    %add3A_15 = arith.constant 1.000000e+00 : f32
    %add3A_16 = vector.broadcast %add3A_15 : f32 to vector<64x8192xf32>
    %add3A_17 = arith.addf %add3A_16, %erf3A : vector<64x8192xf32>
    %mul3A_18 = arith.mulf %mul3A_11, %add3A_17 : vector<64x8192xf32>
    %reduce_sum3A = arith.constant dense<0.000000e+00> : vector<8192xf32>
    %reduce_sum3A_19 = vector.multi_reduction <add>, %mul3A_18, %reduce_sum3A [0] : vector<64x8192xf32> to vector<8192xf32>
    %broadcast_in_dim3A = vector.shape_cast %reduce_sum3A_19 : vector<8192xf32> to vector<1x8192xf32>
    %div3A = arith.constant 6.400000e+01 : f32
    %div3A_20 = vector.broadcast %div3A : f32 to vector<1x8192xf32>
    %div3A_21 = arith.divf %broadcast_in_dim3A, %div3A_20 : vector<1x8192xf32>
    %sub3A = vector.broadcast %div3A_21 : vector<1x8192xf32> to vector<64x8192xf32>
    %sub3A_22 = arith.subf %mul3A_18, %sub3A : vector<64x8192xf32>
    %mul3A_23 = arith.mulf %sub3A_22, %sub3A_22 : vector<64x8192xf32>
    %reduce_sum3A_24 = arith.constant dense<0.000000e+00> : vector<8192xf32>
    %reduce_sum3A_25 = vector.multi_reduction <add>, %mul3A_23, %reduce_sum3A_24 [0] : vector<64x8192xf32> to vector<8192xf32>
    %broadcast_in_dim3A_26 = vector.shape_cast %reduce_sum3A_25 : vector<8192xf32> to vector<1x8192xf32>
    %div3A_27 = arith.constant 6.400000e+01 : f32
    %div3A_28 = vector.broadcast %div3A_27 : f32 to vector<1x8192xf32>
    %div3A_29 = arith.divf %broadcast_in_dim3A_26, %div3A_28 : vector<1x8192xf32>
    %add3A_30 = arith.constant 9.99999974E-6 : f32
    %add3A_31 = vector.broadcast %add3A_30 : f32 to vector<1x8192xf32>
    %add3A_32 = arith.addf %div3A_29, %add3A_31 : vector<1x8192xf32>
    %rsqrt3A = math.rsqrt %add3A_32 : vector<1x8192xf32>
    %mul3A_33 = vector.broadcast %rsqrt3A : vector<1x8192xf32> to vector<64x8192xf32>
    %mul3A_34 = arith.mulf %sub3A_22, %mul3A_33 : vector<64x8192xf32>
    %get3A_35 = arith.constant 0 : index
    %get3A_36 = arith.constant 0 : index
    %get3A_37 = vector.load %arg4[%get3A_35, %get3A_36] : memref<64x1xf32, #tpu.memory_space<vmem>>, vector<64x1xf32>
    %mul3A_38 = vector.broadcast %get3A_37 : vector<64x1xf32> to vector<64x8192xf32>
    %mul3A_39 = arith.mulf %mul3A_34, %mul3A_38 : vector<64x8192xf32>
    %get3A_40 = arith.constant 0 : index
    %get3A_41 = arith.constant 0 : index
    %get3A_42 = vector.load %arg5[%get3A_40, %get3A_41] : memref<64x1xf32, #tpu.memory_space<vmem>>, vector<64x1xf32>
    %add3A_43 = vector.broadcast %get3A_42 : vector<64x1xf32> to vector<64x8192xf32>
    %add3A_44 = arith.addf %mul3A_39, %add3A_43 : vector<64x8192xf32>
    %swap3A = arith.constant 0 : index
    %swap3A_45 = arith.constant 0 : index
    %swap3A_46 = vector.load %arg6[%swap3A, %swap3A_45] : memref<64x8192xf32, #tpu.memory_space<vmem>>, vector<64x8192xf32>
    tpu.vector_store %arg6[%swap3A, %swap3A_45], %add3A_44 {strides = array<i32>} : memref<64x8192xf32, #tpu.memory_space<vmem>>, vector<64x8192xf32>,
    return
  }
  func.func @transform_0(%arg0: i32) -> (i32, i32) {
    %c0_i32 = arith.constant 0 : i32
    %c0_i32_0 = arith.constant 0 : i32
    return %c0_i32, %arg0 : i32, i32
  }
  func.func @transform_1(%arg0: i32) -> (i32, i32) {
    %c0_i32 = arith.constant 0 : i32
    %c0_i32_0 = arith.constant 0 : i32
    %c0_i32_1 = arith.constant 0 : i32
    return %c0_i32, %c0_i32_0 : i32, i32
  }
  func.func @transform_2(%arg0: i32) -> (i32, i32) {
    %c0_i32 = arith.constant 0 : i32
    %c0_i32_0 = arith.constant 0 : i32
    %c0_i32_1 = arith.constant 0 : i32
    return %c0_i32, %c0_i32_0 : i32, i32
  }
  func.func @transform_3(%arg0: i32) -> (i32, i32) {
    %c0_i32 = arith.constant 0 : i32
    %c0_i32_0 = arith.constant 0 : i32
    %c0_i32_1 = arith.constant 0 : i32
    return %c0_i32, %c0_i32_0 : i32, i32
  }
  func.func @transform_4(%arg0: i32) -> (i32, i32) {
    %c0_i32 = arith.constant 0 : i32
    %c0_i32_0 = arith.constant 0 : i32
    %c0_i32_1 = arith.constant 0 : i32
    return %c0_i32, %c0_i32_0 : i32, i32
  }
  func.func @transform_5(%arg0: i32) -> (i32, i32) {
    %c0_i32 = arith.constant 0 : i32
    %c0_i32_0 = arith.constant 0 : i32
    return %c0_i32, %arg0 : i32, i32
  }
}

</mosaic_0001>

<sc_bundles>
// kernel: kernel.4.cloned.1.call-start
scs
__scs_entry_jumppad:
0x0: {  	(pc) =	sbr.rel $0x88, $3  }
0x1: {  	(tag) =	ssettag $0x0;
	lr =	simm.s32 $0x1  }
0x2: {  	[smem:$0x3F9B] =	sst lr;
	_ =	strace $0xD0000000  }
0x3: {  	_ = 	snop  }
0x4: {  	_ = 	snop  }
0x5: {  	_ = 	snop  }
0x6: {  	_ = 	snop  }
0x7: {  	_ = 	snop  }
__scs_overlays_trampoline_lowered:
0x8: {  	[smem:$0x3FAA] =	sst s0  }
0x9: {  	[smem:$0x3FAB] =	sst s1  }
0xa: {  	[smem:$0x3FAC] =	sst s2  }
0xb: {  	[smem:$0x3FAD] =	sst s3  }
0xc: {  	[smem:$0x3FAE] =	sst s4  }
0xd: {  	[smem:$0x3FAF] =	sst s5  }
0xe: {  	[smem:$0x3FB0] =	sst s6  }
0xf: {  	[smem:$0x3FB1] =	sst s7  }
0x10: {  	[smem:$0x3FB2] =	sst s8  }
0x11: {  	[smem:$0x3FB3] =	sst s9;
	s0 =	simm.s32 @!p0 $0x0  }
0x12: {  	s1 =	sld [smem:$0x3F99];
	s0 =	simm.s32 @p0 $0x1  }
0x13: {  	[smem:$0x3FB4] =	sst s0;
	s0 =	simm.s32 @!p1 $0x0  }
0x14: {  	s2 =	sld [smem:$0x3F98];
	s0 =	simm.s32 @p1 $0x1  }
0x15: {  	[smem:$0x3FB5] =	sst s0;
	s0 =	simm.s32 @!p2 $0x0  }
0x16: {  	s3 =	sld [smem:$0x3FDB];
	s0 =	simm.s32 @p2 $0x1  }
0x17: {  	s4 =	simm.s32 $0x1BF5;
	[smem:$0x3FB7] =	sst s0  }
0x18: {  	s0 =	sld [smem:$0x3F9A];
	_ =	swait.ge [sflag:s4], $0x0  }
0x19: {  	s7 =	sld [smem:$0x3F9B]  }
0x1a: {  	s8 =	sadd.s32 $0xFFFFE003, lr  }
0x1b: {  	s9 =	sadd.s32 $0xFFFFFEF7, lr;
	s5 =	simm.s32 $0xFFFFFFFF;
	p2 =	slt.u32 s8, $0xFFFFF086  }
0x1c: {  	p1 =	slt.u32 s9, $0xF7A;
	s5 =	simm.s32 @!p2 $0x0  }
0x1d: {  	s5 =	simm.s32 @p1 $0x1;
	p0 =	seq.s32 s7, s2  }
0x1e: {  	s7 =	smul.u32 @!p0 $0xF7A, s2;
	p2 =	seq.s32 @!p0 s5, $0x0  }
0x1f: {  	s9 =	smul.u32 $0xF7A, s1;
	s8 =	simm.s32 @!p0 $0x1BF5;
	p2 =	por !p2, p0  }
0x20: {  	[sflag:s8] =	ssyncset.s32 @!p0 $0xFFFFF086;
	s6 =	sadd.s32 @!p0 s3, s7;
	s7 =	simm.s32 @!p0 $0x108  }
0x21: {  	s3 =	sadd.s32 s3, s9;
	s6 =	sadd.s32 @!p0 $0x88, s6;
	s7 =	simm.s32 @p2 $0x1082  }
0x22: {  	[simem:s7], [sflag:s8] =	dma.local @!p0 [hbm:s6], $0xF7A  }
0x23: {  	s9 =	sor.u32 $0xD0000000, s2;
	s6 =	simm.s32 $0x108;
	_ =	swait.ge @!p0 [sflag:s8], $0x0  }
0x24: {  	s3 =	sadd.s32 $0x88, s3;
	s6 =	simm.s32 @!p1 $0x1082;
	[sflag:s4] =	ssyncset.s32 $0xFFFFF086  }
0x25: {  	[simem:s6], [sflag:s4] =	dma.local [hbm:s3], $0xF7A  }
0x26: {  	[smem:$0x3F9B] =	sst s1;
	(tag) =	ssettag s2;
	_ =	strace s9  }
0x27: {  	s1 =	sld [smem:$0x3FAB]  }
0x28: {  	s2 =	sld [smem:$0x3FAC]  }
0x29: {  	s4 =	sld [smem:$0x3FAE]  }
0x2a: {  	p0 =	seq.s32 s5, $0x0;
	s5 =	sld [smem:$0x3FAF]  }
0x2b: {  	s6 =	sld [smem:$0x3FB0]  }
0x2c: {  	s7 =	sld [smem:$0x3FB1]  }
0x2d: {  	s3 =	simm.s32 $0x108;
	s8 =	sld [smem:$0x3FB2]  }
0x2e: {  	s3 =	simm.s32 @!p0 $0x1082;
	s9 =	sld [smem:$0x3FB3]  }
0x2f: {  	lr =	sadd.s32 s0, s3;
	s0 =	sld [smem:$0x3FAA]  }
0x30: {  	s3 =	sld [smem:$0x3FAD]  }
0x31: {  	[smem:$0x3FB6] =	sst s10  }
0x32: {  	s10 =	sld [smem:$0x3FB4];
	_ =	sdelay $0x3  }
0x33: {  	p0 =	seq.s32 s10, $0x1;
	s10 =	sld [smem:$0x3FB6];
	_ =	sdelay $0x3  }
0x34: {  	[smem:$0x3FB6] =	sst s10  }
0x35: {  	s10 =	sld [smem:$0x3FB5];
	_ =	sdelay $0x3  }
0x36: {  	p1 =	seq.s32 s10, $0x1;
	s10 =	sld [smem:$0x3FB6];
	_ =	sdelay $0x3  }
0x37: {  	[smem:$0x3FB6] =	sst s10  }
0x38: {  	s10 =	sld [smem:$0x3FB7]  }
0x39: {  	_ = 	snop;
	(pc) =	sbr.ind lr, $3  }
0x3a: {  	_ = 	snop  }
0x3b: {  	_ = 	snop  }
0x3c: {  	p2 =	seq.s32 s10, $0x1;
	s10 =	sld [smem:$0x3FB6]  }
0x3d: {  	_ =	shalt  }
0x3e: {  	_ =	shalt  }
0x3f: {  	_ =	shalt  }
0x40: {  	_ =	shalt  }
0x41: {  	_ =	shalt  }
0x42: {  	_ =	shalt  }
0x43: {  	_ =	shalt  }
0x44: {  	_ =	shalt  }
0x45: {  	_ =	shalt  }
0x46: {  	_ =	shalt  }
0x47: {  	_ =	shalt  }
0x48: {  	_ =	shalt  }
0x49: {  	_ =	shalt  }
0x4a: {  	_ =	shalt  }
0x4b: {  	_ =	shalt  }
0x4c: {  	_ =	shalt  }
0x4d: {  	_ =	shalt  }
0x4e: {  	_ =	shalt  }
0x4f: {  	_ =	shalt  }
0x50: {  	_ =	shalt  }
0x51: {  	_ =	shalt  }
0x52: {  	_ =	shalt  }
0x53: {  	_ =	shalt  }
0x54: {  	_ =	shalt  }
0x55: {  	_ =	shalt  }
0x56: {  	_ =	shalt  }
0x57: {  	_ =	shalt  }
0x58: {  	_ =	shalt  }
0x59: {  	_ =	shalt  }
0x5a: {  	_ =	shalt  }
0x5b: {  	_ =	shalt  }
0x5c: {  	_ =	shalt  }
0x5d: {  	_ =	shalt  }
0x5e: {  	_ =	shalt  }
0x5f: {  	_ =	shalt  }
0x60: {  	_ =	shalt  }
0x61: {  	_ =	shalt  }
0x62: {  	_ =	shalt  }
0x63: {  	_ =	shalt  }
0x64: {  	_ =	shalt  }
0x65: {  	_ =	shalt  }
0x66: {  	_ =	shalt  }
0x67: {  	_ =	shalt  }
0x68: {  	_ =	shalt  }
0x69: {  	_ =	shalt  }
0x6a: {  	_ =	shalt  }
0x6b: {  	_ =	shalt  }
0x6c: {  	_ =	shalt  }
0x6d: {  	_ =	shalt  }
0x6e: {  	_ =	shalt  }
0x6f: {  	_ =	shalt  }
0x70: {  	_ =	shalt  }
0x71: {  	_ =	shalt  }
0x72: {  	_ =	shalt  }
0x73: {  	_ =	shalt  }
0x74: {  	_ =	shalt  }
0x75: {  	_ =	shalt  }
0x76: {  	_ =	shalt  }
0x77: {  	_ =	shalt  }
0x78: {  	_ =	shalt  }
0x79: {  	_ =	shalt  }
0x7a: {  	_ =	shalt  }
0x7b: {  	_ =	shalt  }
0x7c: {  	_ =	shalt  }
0x7d: {  	_ =	shalt  }
0x7e: {  	_ =	shalt  }
0x7f: {  	_ =	shalt  }
0x80: {  	_ =	shalt  }
0x81: {  	_ =	shalt  }
0x82: {  	_ =	shalt  }
0x83: {  	_ =	shalt  }
0x84: {  	_ =	shalt  }
0x85: {  	_ =	shalt  }
0x86: {  	_ =	shalt  }
0x87: {  	_ =	shalt  }
.Lfunc_end0:
.L_simem_size_0:
called_computation_lowered:
.L_overlay_start_0:
0x88: {  	s2 =	sld [smem:$0x3FD9]  }
0x89: {  	s3 =	sld [smem:$0x3FFE];
	_ =	sdelay $0x1  }
0x8a: {  	s1 =	srdreg.scid  }
0x8b: {  	s0 =	sand.u32 $0x1, s1  }
0x8c: {  	s18 =	sshll.u32 s0, $0xA;
	s2 =	sadd.s32 s3, s2  }
0x8d: {  	s2 =	sadd.s32 s2, s18  }
0x8e: {  	[smem:$0x3FC2] =	sst s2  }
0x8f: {  	_ = 	snop  }
0x90: {  	s2 =	sld [smem:$0x3FC9]  }
0x91: {  	s19 =	sld [smem:$0x3FC8]  }
0x92: {  	s4 =	sld [smem:$0x3FD0];
	(tm) =	ssettm $0x1  }
0x93: {  	s5 =	sld [smem:$0x3FFB];
	_ =	sdelay $0x3  }
0x94: {  	_ =	strace s5  }
0x95: {  	s5 =	sld [smem:$0x3FFC];
	_ =	sdelay $0x3  }
0x96: {  	_ =	strace s5  }
0x97: {  	s5 =	sld [smem:$0x3FFD];
	_ =	sdelay $0x3  }
0x98: {  	_ =	strace s5  }
0x99: {  	_ =	strace $0x8FFFFFFF  }
0x9a: {  	s20 =	sld [smem:$0x3FDB];
	_ =	sdelay $0x1  }
0x9b: {  	s6 =	simm.s32 $_scs_section_size  }
0x9c: {  	s7 =	simm.s32 $_size__tile_overlayer_lowered;
	s8 =	simm.s32 $_tile_overlayer_lowered  }
0x9d: {  	s23 =	simm.s32 $0x1BFF;
	s22 =	sshll.u32 s8, $0x1;
	s5 =	sadd.s32 s6, s20  }
0x9e: {  	s9 =	simm.s32 $0x0;
	s21 =	sshll.u32 s7, $0x1;
	s7 =	sadd.s32 s22, s5  }
0x9f: {  	[timem:s9], [sflag:s23] =	dma.local [hbm:s7], s21  }
0xa0: {  	_ =	swait.ge [sflag:s23], s21  }
0xa1: {  	s6 =	ssub.s32 $0x0, s21;
	[sflag:s23] =	ssyncset.done $0x0  }
0xa2: {  	[sflag:s23] =	ssyncadd.s32 s6;
	_ =	sdelay $0x1  }
0xa3: {  	s24 =	simm.s32 $0x1B8B  }
0xa4: {  	_ =	swait.ge [sflag:s24], $0x1  }
0xa5: {  	[sflag:s24] =	ssyncset.done $0x0  }
0xa6: {  	s25 =	simm.s32 $0x1B8E;
	[sflag:s24] =	ssyncadd.s32 $0xFFFFFFFF  }
0xa7: {  	s26 =	simm.s32 $execute0_lowered;
	[smem:$0x3FD2] =	sst s25  }
0xa8: {  	s6 =	sshll.u32 s26, $0x1;
	_ =	strace $0x80000046;
	[dreg:$0x1] =	wrdreg $0xFFFFFFFF  }
0xa9: {  	s28 =	simm.s32 $_size_execute0_lowered;
	s5 =	sadd.s32 s5, s6;
	[dreg:$0x0] =	wrdreg $0x0  }
0xaa: {  	s6 =	sshll.u32 s28, $0x1;
	[dreg:$0x2] =	wrdreg s5  }
0xab: {  	[dreg:$0x3] =	wrdreg s6  }
0xac: {  	[dreg:$0x4] =	wrdreg $0xC0  }
0xad: {  	_ =	task [dreg:s9], $0x5FFFF  }
0xae: {  	[dreg:$0x1] =	wrdreg $0xFFFFFFFF  }
0xaf: {  	[dreg:$0x0] =	wrdreg $0x60  }
0xb0: {  	[dreg:$0x2] =	wrdreg s2  }
0xb1: {  	[dreg:$0x3] =	wrdreg s19  }
0xb2: {  	[dreg:$0x4] =	wrdreg s4  }
0xb3: {  	[dreg:$0x5] =	wrdreg $0x9  }
0xb4: {  	_ =	task.clear_ibuf [dreg:s9], $0x6FFFF;
	_ =	strace $0x90000046  }
0xb5: {  	s29 =	simm.s32 $0x9;
	_ =	strace $0x80000048  }
0xb6: {  	_ =	swait.ge [sflag:s29], $0x1  }
0xb7: {  	[sflag:s29] =	ssyncadd.s32 $0xFFFFFFFF  }
0xb8: {  	_ =	strace $0x90000048  }
0xb9: {  	_ =	sfence  }
0xba: {  	s30 =	sld [smem:$0x0];
	_ =	sdelay $0x2  }
0xbb: {  	s31 =	sshll.u32 s1, $0xD;
	s1 =	sshrl.u32 s1, $0x2  }
0xbc: {  	s3 =	sand.u32 $0x4000, s31;
	s1 =	sadd.s32 s1, s30  }
0xbd: {  	s0 =	sor.u32 s3, s0;
	s1 =	sshll.u32 s1, $0x11  }
0xbe: {  	s0 =	sor.u32 s1, s0  }
0xbf: {  	s0 =	sadd.s32 $0x8F2B, s0  }
0xc0: {  	[sflag:s0] =	ssyncadd.remote.s32 $0x1  }
0xc1: {  	_ =	sfence.sel $0xFFFF  }
0xc2: {  	[dreg:$0x0] =	wrdreg $0xFFFFFFFF;
	(pc) =	sbr.abs _section_cstart, $3  }
0xc3: {  	[dreg:$0x1] =	wrdreg $0xFFFFFFFF  }
0xc4: {  	_ =	task.clear_ibuf [dreg:s9], $0x2FFFF;
	_ =	strace $0x9FFFFFFF  }
0xc5: {  	(tm) =	ssettm $0x7FFFFFFF  }
tec
execute0_lowered:
.L_overlay_start_1:
0x0: {  	(tag) =	ssettag $0x1  }
0x1: {  	s1 =	rddreg [dreg:$0x0]  }
0x2: {  	s8 =	rddreg [dreg:$0x1]  }
0x3: {  	s9 =	rddreg [dreg:$0x2]  }
0x4: {  	s0 =	rddreg [dreg:$0x3];
	s3 =	simm.s32 $0x0  }
0x5: {  	s4 =	srdreg.scid;
	s2 =	stileid.u32;
	s15 =	simm.s32 $0x18700  }
0x6: {  	s16 =	simm.s32 $0x1A700;
	s17 =	simm.s32 $0x0;
	[smem:$0x7FF] =	sst s3  }
0x7: {  	s4 =	sand.u32 $0x1, s4;
	s5 =	sshll.u32 s2, $0x9;
	s6 =	sshrl.u32 s2, $0x1  }
0x8: {  	s14 =	sadd.s32 $0x2000, s9;
	s7 =	sshll.u32 s4, $0x8;
	s5 =	sand.u32 $0x200, s5  }
0x9: {  	s10 =	smul.u32 $0xC3800, s6;
	_ =	strace $0x80000047;
	s4 =	ssub.s32 $0x2, s4  }
0xa: {  	s12 =	sshll.u32 s6, $0x11;
	s5 =	sor.u32 s7, s5;
	s26 =	sshrl.u32 s4, $0x1  }
0xb: {  	s11 =	sor.u32 s10, s5;
	s13 =	ssub.s32 s4, s26;
	s6 =	sor.u32 s12, s5  }
0xc: {  	s30 =	sor.u32 $0x80, s5;
	s28 =	sshrl.u32 s11, $0x3;
	s29 =	sshrl.u32 s6, $0x3  }
0xd: {  	s6 =	sadd.s32 $0x400, s1;
	s10 =	sor.u32 s10, s30;
	s11 =	sor.u32 s12, s30  }
0xe: {  	s12 =	simm.s32 $0x80;
	s4 =	sadd.s32 s8, s28;
	s5 =	sadd.s32 s9, s29  }
0xf: {  	s10 =	sshrl.u32 s10, $0x3;
	s7 =	sadd.s32 s29, s14;
	s31 =	sshrl.u32 s11, $0x3  }
0x10: {  	s11 =	smax.u32 s13, $0x1;
	s13 =	simm.s32 $0x400;
	s8 =	sadd.s32 s8, s10  }
0x11: {  	s9 =	sadd.s32 s9, s31;
	s10 =	sadd.s32 s31, s14;
	s14 =	simm.s32 $0x1  }
.LBB2_1:
0x12: {  	[tilespmem:s3], [sflag:$0x1] =	stream.strided.gather [hbm4b:s4+s12], $0x18700, s13, s12, $0x38;
	[tilespmem:$0x1C700] =	vst v63  }
0x13: {  	_ =	swait.ge [sflag:s14], $0x18700  }
0x14: {  	[sflag:s14] =	ssyncset.done $0x0  }
0x15: {  	[sflag:s14] =	ssyncadd.s32 $0xFFFE7900  }
0x16: {  	[tilespmem:s15], [sflag:$0x1] =	stream.linear.gather [hbm4b:s1+s3], $0x2000, $0x38;
	[tilespmem:$0x1C700] =	vst v63  }
0x17: {  	_ =	swait.ge [sflag:s14], $0x2000  }
0x18: {  	[sflag:s14] =	ssyncset.done $0x0  }
0x19: {  	s18 =	simm.s32 $0x0;
	[sflag:s14] =	ssyncadd.s32 $0xFFFFE000  }
0x1a: {  	v0 =	vld [tilespmem:s18+$0x18700];
	_ =	sdelay $0x5  }
0x1b: {  	v1 =	vld [tilespmem:s18+$0x18710];
	_ =	sdelay $0x1  }
0x1c: {  	v0 =	vld.idx.msk [tilespmem:v0+s3+$0x0], $0xffff;
	_ =	sdelay $0x4  }
0x1d: {  	v2 =	vld [tilespmem:s18+$0x18720];
	[tilespmem:s18+$0x1A700] =	vst v0  }
0x1e: {  	v0 =	vld.idx.msk [tilespmem:v1+s3+$0x0], $0xffff;
	_ =	sdelay $0x4  }
0x1f: {  	[tilespmem:s18+$0x1A710] =	vst v0;
	v0 =	vld [tilespmem:s18+$0x18730];
	_ =	sdelay $0x1  }
0x20: {  	v1 =	vld.idx.msk [tilespmem:v2+s3+$0x0], $0xffff;
	_ =	sdelay $0x3  }
0x21: {  	s20 =	simm.s32 $0x40;
	s19 =	simm.s32 $0x200  }
.LBB2_2:
0x22: {  	p0 =	sne.s32 s19, $0x7F00;
	v2 =	vld [tilespmem:s20+$0x18700];
	[tilespmem:s18+$0x1A720] =	vst v1  }
0x23: {  	v0 =	vld.idx.msk [tilespmem:v0+s3+$0x0], $0xffff;
	_ =	sdelay $0x5  }
0x24: {  	v1 =	vld [tilespmem:s20+$0x18710];
	[tilespmem:s18+$0x1A730] =	vst v0;
	s18 =	smov.u32 s20  }
0x25: {  	v0 =	vld.idx.msk [tilespmem:v2+s3+$0x0], $0xffff;
	_ =	sdelay $0x5  }
0x26: {  	[tilespmem:s18+$0x1A700] =	vst v0;
	v2 =	vld [tilespmem:s18+$0x18720]  }
0x27: {  	v0 =	vld.idx.msk [tilespmem:v1+s3+$0x0], $0xffff;
	_ =	sdelay $0x5  }
0x28: {  	[tilespmem:s18+$0x1A710] =	vst v0;
	v0 =	vld [tilespmem:s18+$0x18730]  }
0x29: {  	v1 =	vld.idx.msk [tilespmem:v2+s3+$0x0], $0xffff  }
.Ltmp0:
0x2a: {  	(pc) =	sbr.rel @p0 .LBB2_2-.Ltmp0, $2  }
0x2b: {  	_ =	sdelay $0x2  }
0x2c: {  	s20 =	sshra.s32 s19, $0x2;
	s19 =	sadd.s32 $0x100, s19  }
0x2d: {  	_ =	sdelay $0x1  }
0x2e: {  	v2 =	vld [tilespmem:s20+$0x18700]  }
0x2f: {  	[tilespmem:s18+$0x1A720] =	vst v1  }
0x30: {  	v0 =	vld.idx.msk [tilespmem:v0+s3+$0x0], $0xffff;
	_ =	sdelay $0x3  }
0x31: {  	v1 =	vld [tilespmem:s20+$0x18710]  }
0x32: {  	[tilespmem:s18+$0x1A730] =	vst v0  }
0x33: {  	v0 =	vld.idx.msk [tilespmem:v2+s3+$0x0], $0xffff;
	_ =	sdelay $0x4  }
0x34: {  	[tilespmem:s20+$0x1A700] =	vst v0;
	v0 =	vld [tilespmem:s20+$0x18720]  }
0x35: {  	v1 =	vld.idx.msk [tilespmem:v1+s3+$0x0], $0xffff;
	_ =	sdelay $0x4  }
0x36: {  	[tilespmem:s20+$0x1A710] =	vst v1;
	v1 =	vld [tilespmem:s20+$0x18730];
	_ =	sdelay $0x1  }
0x37: {  	v0 =	vld.idx.msk [tilespmem:v0+s3+$0x0], $0xffff;
	_ =	sdelay $0x4  }
0x38: {  	[tilespmem:s20+$0x1A720] =	vst v0  }
0x39: {  	v0 =	vld.idx.msk [tilespmem:v1+s3+$0x0], $0xffff;
	_ =	sdelay $0x4  }
0x3a: {  	[tilespmem:s20+$0x1A730] =	vst v0  }
0x3b: {  	[hbm4b:s5+s12] =	stream.strided.scatter [tilespmem:s16], [sflag:$0x1], $0x2000, s13, s12, $0x38;
	[tilespmem:$0x1C700] =	vst v63  }
0x3c: {  	_ =	swait.ge [sflag:s14], $0x2000  }
0x3d: {  	[sflag:s14] =	ssyncset.done $0x0  }
0x3e: {  	s31 =	simm.s32 $0x0;
	[sflag:s14] =	ssyncadd.s32 $0xFFFFE000  }
0x3f: {  	[tilespmem:s15], [sflag:$0x1] =	stream.linear.gather [hbm4b:s6+s31], $0x2000, $0x38;
	[tilespmem:$0x1C700] =	vst v63  }
0x40: {  	_ =	swait.ge [sflag:s14], $0x2000  }
0x41: {  	[sflag:s14] =	ssyncset.done $0x0  }
0x42: {  	s18 =	simm.s32 $0x0;
	[sflag:s14] =	ssyncadd.s32 $0xFFFFE000  }
0x43: {  	v0 =	vld [tilespmem:s18+$0x18700];
	_ =	sdelay $0x5  }
0x44: {  	v1 =	vld [tilespmem:s18+$0x18710];
	_ =	sdelay $0x1  }
0x45: {  	v0 =	vld.idx.msk [tilespmem:v0+s3+$0x0], $0xffff;
	_ =	sdelay $0x4  }
0x46: {  	v2 =	vld [tilespmem:s18+$0x18720];
	[tilespmem:s18+$0x1A700] =	vst v0  }
0x47: {  	v0 =	vld.idx.msk [tilespmem:v1+s3+$0x0], $0xffff;
	_ =	sdelay $0x4  }
0x48: {  	[tilespmem:s18+$0x1A710] =	vst v0;
	v0 =	vld [tilespmem:s18+$0x18730];
	_ =	sdelay $0x1  }
0x49: {  	v1 =	vld.idx.msk [tilespmem:v2+s3+$0x0], $0xffff;
	_ =	sdelay $0x3  }
0x4a: {  	s19 =	simm.s32 $0x200;
	s20 =	simm.s32 $0x40  }
.LBB2_4:
0x4b: {  	p0 =	sne.s32 s19, $0x7F00;
	v2 =	vld [tilespmem:s20+$0x18700];
	[tilespmem:s18+$0x1A720] =	vst v1  }
0x4c: {  	v0 =	vld.idx.msk [tilespmem:v0+s3+$0x0], $0xffff;
	_ =	sdelay $0x5  }
0x4d: {  	v1 =	vld [tilespmem:s20+$0x18710];
	[tilespmem:s18+$0x1A730] =	vst v0;
	s18 =	smov.u32 s20  }
0x4e: {  	v0 =	vld.idx.msk [tilespmem:v2+s3+$0x0], $0xffff;
	_ =	sdelay $0x5  }
0x4f: {  	[tilespmem:s18+$0x1A700] =	vst v0;
	v2 =	vld [tilespmem:s18+$0x18720]  }
0x50: {  	v0 =	vld.idx.msk [tilespmem:v1+s3+$0x0], $0xffff;
	_ =	sdelay $0x5  }
0x51: {  	[tilespmem:s18+$0x1A710] =	vst v0;
	v0 =	vld [tilespmem:s18+$0x18730]  }
0x52: {  	v1 =	vld.idx.msk [tilespmem:v2+s3+$0x0], $0xffff  }
.Ltmp1:
0x53: {  	(pc) =	sbr.rel @p0 .LBB2_4-.Ltmp1, $2  }
0x54: {  	_ =	sdelay $0x2  }
0x55: {  	s20 =	sshra.s32 s19, $0x2;
	s19 =	sadd.s32 $0x100, s19  }
0x56: {  	_ =	sdelay $0x1  }
0x57: {  	v2 =	vld [tilespmem:s20+$0x18700]  }
0x58: {  	[tilespmem:s18+$0x1A720] =	vst v1  }
0x59: {  	v0 =	vld.idx.msk [tilespmem:v0+s3+$0x0], $0xffff;
	_ =	sdelay $0x3  }
0x5a: {  	v1 =	vld [tilespmem:s20+$0x18710]  }
0x5b: {  	[tilespmem:s18+$0x1A730] =	vst v0  }
0x5c: {  	v0 =	vld.idx.msk [tilespmem:v2+s3+$0x0], $0xffff;
	_ =	sdelay $0x4  }
0x5d: {  	[tilespmem:s20+$0x1A700] =	vst v0;
	v0 =	vld [tilespmem:s20+$0x18720]  }
0x5e: {  	v1 =	vld.idx.msk [tilespmem:v1+s3+$0x0], $0xffff;
	_ =	sdelay $0x4  }
0x5f: {  	[tilespmem:s20+$0x1A710] =	vst v1;
	v1 =	vld [tilespmem:s20+$0x18730];
	_ =	sdelay $0x1  }
0x60: {  	v0 =	vld.idx.msk [tilespmem:v0+s3+$0x0], $0xffff;
	_ =	sdelay $0x4  }
0x61: {  	[tilespmem:s20+$0x1A720] =	vst v0  }
0x62: {  	v0 =	vld.idx.msk [tilespmem:v1+s3+$0x0], $0xffff;
	_ =	sdelay $0x4  }
0x63: {  	[tilespmem:s20+$0x1A730] =	vst v0  }
0x64: {  	[hbm4b:s7+s12] =	stream.strided.scatter [tilespmem:s16], [sflag:$0x1], $0x2000, s13, s12, $0x38;
	[tilespmem:$0x1C700] =	vst v63  }
0x65: {  	_ =	swait.ge [sflag:s14], $0x2000  }
0x66: {  	[sflag:s14] =	ssyncset.done $0x0  }
0x67: {  	s31 =	simm.s32 $0x0;
	[sflag:s14] =	ssyncadd.s32 $0xFFFFE000  }
0x68: {  	[tilespmem:s31], [sflag:$0x1] =	stream.strided.gather [hbm4b:s8+s12], $0x18700, s13, s12, $0x38;
	[tilespmem:$0x1C700] =	vst v63  }
0x69: {  	_ =	swait.ge [sflag:s14], $0x18700  }
0x6a: {  	[sflag:s14] =	ssyncset.done $0x0  }
0x6b: {  	[sflag:s14] =	ssyncadd.s32 $0xFFFE7900  }
0x6c: {  	[tilespmem:s15], [sflag:$0x1] =	stream.linear.gather [hbm4b:s1+s31], $0x2000, $0x38;
	[tilespmem:$0x1C700] =	vst v63  }
0x6d: {  	_ =	swait.ge [sflag:s14], $0x2000  }
0x6e: {  	[sflag:s14] =	ssyncset.done $0x0  }
0x6f: {  	s18 =	simm.s32 $0x0;
	[sflag:s14] =	ssyncadd.s32 $0xFFFFE000  }
0x70: {  	v0 =	vld [tilespmem:s18+$0x18700];
	_ =	sdelay $0x5  }
0x71: {  	v1 =	vld [tilespmem:s18+$0x18710];
	_ =	sdelay $0x1  }
0x72: {  	v0 =	vld.idx.msk [tilespmem:v0+s3+$0x0], $0xffff;
	_ =	sdelay $0x4  }
0x73: {  	v2 =	vld [tilespmem:s18+$0x18720];
	[tilespmem:s18+$0x1A700] =	vst v0  }
0x74: {  	v0 =	vld.idx.msk [tilespmem:v1+s3+$0x0], $0xffff;
	_ =	sdelay $0x4  }
0x75: {  	[tilespmem:s18+$0x1A710] =	vst v0;
	v0 =	vld [tilespmem:s18+$0x18730];
	_ =	sdelay $0x1  }
0x76: {  	v1 =	vld.idx.msk [tilespmem:v2+s3+$0x0], $0xffff;
	_ =	sdelay $0x3  }
0x77: {  	s19 =	simm.s32 $0x200;
	s20 =	simm.s32 $0x40  }
.LBB2_6:
0x78: {  	p0 =	sne.s32 s19, $0x7F00;
	v2 =	vld [tilespmem:s20+$0x18700];
	[tilespmem:s18+$0x1A720] =	vst v1  }
0x79: {  	v0 =	vld.idx.msk [tilespmem:v0+s3+$0x0], $0xffff;
	_ =	sdelay $0x5  }
0x7a: {  	v1 =	vld [tilespmem:s20+$0x18710];
	[tilespmem:s18+$0x1A730] =	vst v0;
	s18 =	smov.u32 s20  }
0x7b: {  	v0 =	vld.idx.msk [tilespmem:v2+s3+$0x0], $0xffff;
	_ =	sdelay $0x5  }
0x7c: {  	[tilespmem:s18+$0x1A700] =	vst v0;
	v2 =	vld [tilespmem:s18+$0x18720]  }
0x7d: {  	v0 =	vld.idx.msk [tilespmem:v1+s3+$0x0], $0xffff;
	_ =	sdelay $0x5  }
0x7e: {  	[tilespmem:s18+$0x1A710] =	vst v0;
	v0 =	vld [tilespmem:s18+$0x18730]  }
0x7f: {  	v1 =	vld.idx.msk [tilespmem:v2+s3+$0x0], $0xffff  }
.Ltmp2:
0x80: {  	(pc) =	sbr.rel @p0 .LBB2_6-.Ltmp2, $2  }
0x81: {  	_ =	sdelay $0x2  }
0x82: {  	s20 =	sshra.s32 s19, $0x2;
	s19 =	sadd.s32 $0x100, s19  }
0x83: {  	_ =	sdelay $0x1  }
0x84: {  	v2 =	vld [tilespmem:s20+$0x18700]  }
0x85: {  	[tilespmem:s18+$0x1A720] =	vst v1  }
0x86: {  	v0 =	vld.idx.msk [tilespmem:v0+s3+$0x0], $0xffff;
	_ =	sdelay $0x3  }
0x87: {  	v1 =	vld [tilespmem:s20+$0x18710]  }
0x88: {  	[tilespmem:s18+$0x1A730] =	vst v0  }
0x89: {  	v0 =	vld.idx.msk [tilespmem:v2+s3+$0x0], $0xffff;
	_ =	sdelay $0x4  }
0x8a: {  	[tilespmem:s20+$0x1A700] =	vst v0;
	v0 =	vld [tilespmem:s20+$0x18720]  }
0x8b: {  	v1 =	vld.idx.msk [tilespmem:v1+s3+$0x0], $0xffff;
	_ =	sdelay $0x4  }
0x8c: {  	[tilespmem:s20+$0x1A710] =	vst v1;
	v1 =	vld [tilespmem:s20+$0x18730];
	_ =	sdelay $0x1  }
0x8d: {  	v0 =	vld.idx.msk [tilespmem:v0+s3+$0x0], $0xffff;
	_ =	sdelay $0x4  }
0x8e: {  	[tilespmem:s20+$0x1A720] =	vst v0  }
0x8f: {  	v0 =	vld.idx.msk [tilespmem:v1+s3+$0x0], $0xffff;
	_ =	sdelay $0x4  }
0x90: {  	[tilespmem:s20+$0x1A730] =	vst v0  }
0x91: {  	[hbm4b:s9+s12] =	stream.strided.scatter [tilespmem:s16], [sflag:$0x1], $0x2000, s13, s12, $0x38;
	[tilespmem:$0x1C700] =	vst v63  }
0x92: {  	_ =	swait.ge [sflag:s14], $0x2000  }
0x93: {  	[sflag:s14] =	ssyncset.done $0x0  }
0x94: {  	s31 =	simm.s32 $0x0;
	[sflag:s14] =	ssyncadd.s32 $0xFFFFE000  }
0x95: {  	[tilespmem:s15], [sflag:$0x1] =	stream.linear.gather [hbm4b:s6+s31], $0x2000, $0x38;
	[tilespmem:$0x1C700] =	vst v63  }
0x96: {  	_ =	swait.ge [sflag:s14], $0x2000  }
0x97: {  	[sflag:s14] =	ssyncset.done $0x0  }
0x98: {  	s18 =	simm.s32 $0x0;
	[sflag:s14] =	ssyncadd.s32 $0xFFFFE000  }
0x99: {  	v0 =	vld [tilespmem:s18+$0x18700];
	_ =	sdelay $0x5  }
0x9a: {  	v1 =	vld [tilespmem:s18+$0x18710];
	_ =	sdelay $0x1  }
0x9b: {  	v0 =	vld.idx.msk [tilespmem:v0+s3+$0x0], $0xffff;
	_ =	sdelay $0x4  }
0x9c: {  	v2 =	vld [tilespmem:s18+$0x18720];
	[tilespmem:s18+$0x1A700] =	vst v0  }
0x9d: {  	v0 =	vld.idx.msk [tilespmem:v1+s3+$0x0], $0xffff;
	_ =	sdelay $0x4  }
0x9e: {  	[tilespmem:s18+$0x1A710] =	vst v0;
	v0 =	vld [tilespmem:s18+$0x18730];
	_ =	sdelay $0x1  }
0x9f: {  	v1 =	vld.idx.msk [tilespmem:v2+s3+$0x0], $0xffff;
	_ =	sdelay $0x3  }
0xa0: {  	s19 =	simm.s32 $0x200;
	s20 =	simm.s32 $0x40  }
.LBB2_8:
0xa1: {  	p0 =	sne.s32 s19, $0x7F00;
	v2 =	vld [tilespmem:s20+$0x18700];
	[tilespmem:s18+$0x1A720] =	vst v1  }
0xa2: {  	v0 =	vld.idx.msk [tilespmem:v0+s3+$0x0], $0xffff;
	_ =	sdelay $0x5  }
0xa3: {  	v1 =	vld [tilespmem:s20+$0x18710];
	[tilespmem:s18+$0x1A730] =	vst v0;
	s18 =	smov.u32 s20  }
0xa4: {  	v0 =	vld.idx.msk [tilespmem:v2+s3+$0x0], $0xffff;
	_ =	sdelay $0x5  }
0xa5: {  	[tilespmem:s18+$0x1A700] =	vst v0;
	v2 =	vld [tilespmem:s18+$0x18720]  }
0xa6: {  	v0 =	vld.idx.msk [tilespmem:v1+s3+$0x0], $0xffff;
	_ =	sdelay $0x5  }
0xa7: {  	[tilespmem:s18+$0x1A710] =	vst v0;
	v0 =	vld [tilespmem:s18+$0x18730]  }
0xa8: {  	v1 =	vld.idx.msk [tilespmem:v2+s3+$0x0], $0xffff  }
.Ltmp3:
0xa9: {  	(pc) =	sbr.rel @p0 .LBB2_8-.Ltmp3, $2  }
0xaa: {  	_ =	sdelay $0x2  }
0xab: {  	s20 =	sshra.s32 s19, $0x2;
	s19 =	sadd.s32 $0x100, s19  }
0xac: {  	_ =	sdelay $0x1  }
0xad: {  	v2 =	vld [tilespmem:s20+$0x18700]  }
0xae: {  	[tilespmem:s18+$0x1A720] =	vst v1  }
0xaf: {  	v0 =	vld.idx.msk [tilespmem:v0+s3+$0x0], $0xffff;
	_ =	sdelay $0x3  }
0xb0: {  	v1 =	vld [tilespmem:s20+$0x18710]  }
0xb1: {  	[tilespmem:s18+$0x1A730] =	vst v0  }
0xb2: {  	v0 =	vld.idx.msk [tilespmem:v2+s3+$0x0], $0xffff;
	_ =	sdelay $0x3  }
0xb3: {  	v62 =	vld [tilespmem:s20+$0x18720]  }
0xb4: {  	[tilespmem:s20+$0x1A700] =	vst v0  }
0xb5: {  	v1 =	vld.idx.msk [tilespmem:v1+s3+$0x0], $0xffff;
	_ =	sdelay $0x3  }
0xb6: {  	v63 =	vld [tilespmem:s20+$0x18730]  }
0xb7: {  	[tilespmem:s20+$0x1A710] =	vst v1  }
0xb8: {  	v0 =	vld.idx.msk [tilespmem:v62+s3+$0x0], $0xffff;
	_ =	sdelay $0x4  }
0xb9: {  	[tilespmem:s20+$0x1A720] =	vst v0  }
0xba: {  	v0 =	vld.idx.msk [tilespmem:v63+s3+$0x0], $0xffff;
	_ =	sdelay $0x2  }
0xbb: {  	s17 =	sadd.s32 $0x1, s17  }
0xbc: {  	p0 =	sne.s32 s17, s11  }
.Ltmp4:
0xbd: {  	[tilespmem:s20+$0x1A730] =	vst v0;
	(pc) =	sbr.rel @p0 .LBB2_1-.Ltmp4, $4  }
0xbe: {  	[hbm4b:s10+s12] =	stream.strided.scatter [tilespmem:s16], [sflag:$0x1], $0x2000, s13, s12, $0x38;
	[tilespmem:$0x1C700] =	vst v63  }
0xbf: {  	_ =	swait.ge [sflag:s14], $0x2000  }
0xc0: {  	[sflag:s14] =	ssyncset.done $0x0  }
0xc1: {  	[sflag:s14] =	ssyncadd.s32 $0xFFFFE000  }
0xc2: {  	_ =	sfence.sel $0x180000  }
0xc3: {  	[bflag:$0x0] =	sbarrier.arrive $0xFFFF  }
0xc4: {  	p0 =	sne.s32 s2, $0x0;
	_ =	strace $0x90000047  }
0xc5: {  	s0 =	sadd.s32 @!p0 $0x100000, s0;
	[bflag:$0x2] =	sbarrier.arrive $0xFFFF  }
0xc6: {  	[sflag:s0] =	ssyncadd.tile.s32 @!p0 $0x1;
	_ =	shalt  }
.Lfunc_end2:
_tile_overlayer_lowered:
.L_overlay_start_2:
0xc7: {  	(tag) =	ssettag $0x2  }
0xc8: {  	s0 =	rddreg [dreg:$0x0];
	s2 =	stileid.u32  }
0xc9: {  	s1 =	rddreg [dreg:$0x1];
	p0 =	sne.s32 s2, $0x0  }
0xca: {  	s3 =	rddreg [dreg:$0x2];
	[bflag:$0x3] =	sbarrier.arrive $0xFFFF;
	s2 =	simm.s32 @!p0 $0x1C01  }
0xcb: {  	[timem:s3], [sflag:s2] =	dma.local @!p0 [hbm:s0], s1  }
0xcc: {  	s0 =	simm.s32 @!p0 $0x1  }
0xcd: {  	_ =	swait.ge @!p0 [sflag:s0], s1  }
0xce: {  	s1 =	ssub.s32 @!p0 $0x0, s1;
	[sflag:s0] =	ssyncset.done @!p0 $0x0  }
0xcf: {  	[sflag:s0] =	ssyncadd.s32 @!p0 s1  }
0xd0: {  	[bflag:$0x3] =	sbarrier.arrive $0xFFFF  }
0xd1: {  	_ =	shalt  }

</sc_bundles>
